<compile_context>
chip_gen: v7x
topology: tpu7x:2x2x1
jax: 0.10.2.dev20260603
libtpu: 0.0.44.dev20260713+nightly
codegen_flags: <defaults>
</compile_context>

<pallas_src>
import math

import jax
import jax.numpy as jnp
from jax import lax
from jax.experimental import pallas as pl
from jax.experimental.pallas import tpu as pltpu
from jax.experimental.pallas import tpu_sc as plsc

B = 4096
NCAT = 26
L = 200
EMB = 64
ATTN = 128
HID = 512
TOPK = 30

R = 128
GRID = B // R
NC, NS = 2, 16
NW = NC * NS

NSLICE = 1
BS = B // NSLICE
SEQ_PER_W = BS * L // NW
SEQ_N128 = SEQ_PER_W // 128
CAT_TOTAL = B * NCAT + B
CAT_PER_W = CAT_TOTAL // NW


def _sc_gather_kernel(with_cat, *refs):
    if with_cat:
        (seq_emb, seq_idx, cat_emb, cat_idx, out_seq, out_cat,
         idx_seq_v, idx_cat_v, rows_v, sem) = refs
    else:
        seq_emb, seq_idx, out_seq, idx_seq_v, rows_v, sem = refs
    wid = lax.axis_index("s") * NC + lax.axis_index("c")
    pltpu.sync_copy(seq_idx.at[wid], idx_seq_v)

    seq_base = wid * SEQ_PER_W

    @pl.loop(0, SEQ_PER_W // 1280)
    def _seq_chunk(j):
        cps = [
            pltpu.async_copy(
                seq_emb.at[idx_seq_v.at[j * 10 + b]],
                rows_v.at[pl.ds(b * 128, 128)],
                sem,
            )
            for b in range(10)
        ]
        for cp in cps:
            cp.wait()
        pltpu.sync_copy(rows_v.at[pl.ds(0, 1280)],
                        out_seq.at[pl.ds(seq_base + j * 1280, 1280)])

    if with_cat:
        pltpu.sync_copy(cat_idx.at[wid], idx_cat_v)
        cat_base = wid * CAT_PER_W

        @pl.loop(0, 3)
        def _cat_chunk(g):
            cps = [
                pltpu.async_copy(
                    cat_emb.at[idx_cat_v.at[g * 9 + b]],
                    rows_v.at[pl.ds(b * 128, 128)],
                    sem,
                )
                for b in range(9)
            ]
            for cp in cps:
                cp.wait()
            pltpu.sync_copy(rows_v.at[pl.ds(0, 1152)],
                            out_cat.at[pl.ds(cat_base + g * 1152, 1152)])


def _sc_gather(seq_emb, seq_idx3, cat_emb=None, cat_idx3=None):
    with_cat = cat_emb is not None
    mesh = plsc.VectorSubcoreMesh(core_axis_name="c", subcore_axis_name="s")
    out_type = [jax.ShapeDtypeStruct((BS * L, EMB), jnp.float32)]
    scratch = [pltpu.VMEM((SEQ_N128, 128), jnp.int32)]
    args = [seq_emb, seq_idx3]
    if with_cat:
        out_type.append(jax.ShapeDtypeStruct((CAT_TOTAL, EMB), jnp.float32))
        scratch.append(pltpu.VMEM((27, 128), jnp.int32))
        args += [cat_emb, cat_idx3]
        args = [seq_emb, seq_idx3, cat_emb, cat_idx3]
    scratch += [pltpu.VMEM((1280, EMB), jnp.float32), pltpu.SemaphoreType.DMA]
    f = pl.kernel(
        lambda *r: _sc_gather_kernel(with_cat, *r),
        out_type=out_type,
        mesh=mesh,
        scratch_types=scratch,
        compiler_params=pltpu.CompilerParams(use_tc_tiling_on_sc=False),
    )
    return f(*args)


def _qnn(x, w1, b1, w2, b2, wo, bo, g, be):
    quad = (x @ w1 + b1) * (x @ w2 + b2)
    y = x + quad @ wo + bo
    mu = jnp.mean(y, axis=-1, keepdims=True)
    var = jnp.mean((y - mu) ** 2, axis=-1, keepdims=True)
    return g * (y - mu) / jnp.sqrt(var + 1e-5) + be


def _tc_body(seqflat_ref, catp_ref, tgt_ref, nums_ref,
             q_w_ref, k_w_ref, v_w_ref, ao_w_ref, ao_b_ref,
             cp_w_ref, cp_b_ref, num_w_ref, num_b_ref,
             mlp_w_ref, mlp_b_ref,
             a_w1_ref, a_b1_ref, a_w2_ref, a_b2_ref, a_wo_ref, a_bo_ref,
             a_g_ref, a_be_ref,
             b_w1_ref, b_b1_ref, b_w2_ref, b_b2_ref, b_wo_ref, b_bo_ref,
             b_g_ref, b_be_ref,
             out_w_ref, out_b_ref, out_ref):
    tgt = tgt_ref[...]
    q = tgt @ q_w_ref[...]
    q2 = lax.dot_general(q, k_w_ref[...], (((1,), (1,)), ((), ())))
    q2 = q2 * (1.0 / math.sqrt(float(ATTN)))

    seq3 = seqflat_ref[...].reshape(R, L, EMB)
    LC = 40
    scores = jnp.concatenate(
        [jnp.sum(seq3[:, c:c + LC, :] * q2[:, None, :], axis=-1)
         for c in range(0, L, LC)], axis=1)

    bits = lax.bitcast_convert_type(scores, jnp.int32)
    keys = jnp.where(bits >= 0, bits, bits ^ jnp.int32(0x7FFFFFFF))

    lo0 = jnp.full((R, 1), jnp.iinfo(jnp.int32).min, jnp.int32)
    hi0 = jnp.full((R, 1), jnp.iinfo(jnp.int32).max, jnp.int32)

    def bs(t, carry):
        lo, hi = carry
        mid = (lo >> 1) + (hi >> 1) + (lo & hi & 1) + ((lo ^ hi) & 1)
        cnt = jnp.sum(jnp.where(keys >= mid, 1.0, 0.0), axis=1,
                      keepdims=True)
        pred = cnt >= float(TOPK)
        return jnp.where(pred, mid, lo), jnp.where(pred, hi, mid - 1)

    thr, _ = lax.fori_loop(0, 32, bs, (lo0, hi0))

    gt = keys > thr
    eq = keys == thr
    c1 = jnp.sum(jnp.where(gt, 1.0, 0.0), axis=1, keepdims=True)
    ri = lax.broadcasted_iota(jnp.int32, (L, L), 0)
    ci = lax.broadcasted_iota(jnp.int32, (L, L), 1)
    lower_tri = jnp.where(ri <= ci, 1.0, 0.0)
    csum = jnp.where(eq, 1.0, 0.0) @ lower_tri
    sel = gt | (eq & (csum <= (float(TOPK) - c1)))

    masked = jnp.where(sel, scores, -jnp.inf)
    mx = jnp.max(masked, axis=1, keepdims=True)
    ex = jnp.exp(masked - mx)
    wgt = ex / jnp.sum(ex, axis=1, keepdims=True)

    wsum = jnp.zeros((R, EMB), jnp.float32)
    for c in range(0, L, LC):
        wsum = wsum + jnp.sum(seq3[:, c:c + LC, :]
                              * wgt[:, c:c + LC, None], axis=1)
    vp = lax.dot_general(wsum, v_w_ref[...], (((1,), (0,)), ((), ())))
    interest = vp @ ao_w_ref[...] + ao_b_ref[...]

    cat_pool = catp_ref[...] @ cp_w_ref[...] + cp_b_ref[...]
    num_e = nums_ref[...] @ num_w_ref[...] + num_b_ref[...]

    mlp_w = mlp_w_ref[...]
    h = (tgt @ mlp_w[0:EMB]
         + interest @ mlp_w[EMB:2 * EMB]
         + cat_pool @ mlp_w[2 * EMB:3 * EMB]
         + num_e @ mlp_w[3 * EMB:4 * EMB]
         + mlp_b_ref[...])
    h = jnp.maximum(h, 0.0)

    h = _qnn(h, a_w1_ref[...], a_b1_ref[...], a_w2_ref[...], a_b2_ref[...],
             a_wo_ref[...], a_bo_ref[...], a_g_ref[...], a_be_ref[...])
    h = _qnn(h, b_w1_ref[...], b_b1_ref[...], b_w2_ref[...], b_b2_ref[...],
             b_wo_ref[...], b_bo_ref[...], b_g_ref[...], b_be_ref[...])

    out_ref[...] = h @ out_w_ref[...] + out_b_ref[...]


def _row_block(shape, grid):
    nd = len(shape)
    return pl.BlockSpec((shape[0] // grid,) + shape[1:],
                        lambda i: (i,) + (0,) * (nd - 1))


def _whole(shape):
    nd = len(shape)
    return pl.BlockSpec(shape, lambda i: (0,) * nd)


def _fused_tc(seqflat, catp, tgt_e, nums, *weights, interpret=False):
    bs = tgt_e.shape[0]
    grid = bs // R
    in_specs = [
        _row_block((bs * L, EMB), grid),
        _row_block((bs, NCAT * EMB), grid),
        _row_block((bs, EMB), grid),
        _row_block((bs, nums.shape[1]), grid),
    ] + [_whole(w.shape) for w in weights]
    f = pl.pallas_call(
        _tc_body,
        grid=(grid,),
        in_specs=in_specs,
        out_specs=_row_block((bs, 1), grid),
        out_shape=jax.ShapeDtypeStruct((bs, 1), jnp.float32),
        compiler_params=pltpu.CompilerParams(
            dimension_semantics=("arbitrary",),
            vmem_limit_bytes=100 * 1024 * 1024,
        ),
        interpret=interpret,
    )
    return f(seqflat, catp, tgt_e, nums, *weights)


def kernel(cats, nums, seqs, tgt_ids, cat_emb, seq_emb, num_w, num_b, q_w,
           k_w, v_w, ao_w, ao_b, cp_w, cp_b, mlp_w, mlp_b,
           a_w1, a_b1, a_w2, a_b2, a_wo, a_bo, a_g, a_be,
           b_w1, b_b1, b_w2, b_b2, b_wo, b_bo, b_g, b_be,
           out_w, out_b):
    cat_idx3 = jnp.concatenate(
        [cats.astype(jnp.int32).reshape(-1), tgt_ids.astype(jnp.int32)]
    ).reshape(NW, CAT_PER_W // 128, 128)

    seq_parts = []
    out_cat = None
    for s in range(NSLICE):
        seq_idx3 = (seqs[s * BS:(s + 1) * BS].astype(jnp.int32)
                    .reshape(NW, SEQ_N128, 128))
        if s == 0:
            part, out_cat = _sc_gather(seq_emb, seq_idx3, cat_emb, cat_idx3)
        else:
            (part,) = _sc_gather(seq_emb, seq_idx3)
        seq_parts.append(part)
    catp = out_cat[:B * NCAT].reshape(B, NCAT * EMB)
    tgt_e = out_cat[B * NCAT:]

    weights = (q_w, k_w, v_w, ao_w, ao_b.reshape(1, EMB),
               cp_w, cp_b.reshape(1, EMB), num_w, num_b.reshape(1, EMB),
               mlp_w, mlp_b.reshape(1, HID),
               a_w1, a_b1.reshape(1, HID), a_w2, a_b2.reshape(1, HID),
               a_wo, a_bo.reshape(1, HID), a_g.reshape(1, HID),
               a_be.reshape(1, HID),
               b_w1, b_b1.reshape(1, HID), b_w2, b_b2.reshape(1, HID),
               b_wo, b_bo.reshape(1, HID), b_g.reshape(1, HID),
               b_be.reshape(1, HID),
               out_w, out_b.reshape(1, 1))
    logits = []
    for s in range(NSLICE):
        sl = slice(s * BS, (s + 1) * BS)
        logits.append(_fused_tc(seq_parts[s], catp[sl], tgt_e[sl], nums[sl],
                                *weights))
    return jnp.concatenate(logits, axis=0)[:, 0]

# --- scband reference (transcript-rebuilt; emitter-appended) ---
"""Pipeline reference for scband-qinlike-71588514889822 (READ-ONLY COPY).

The authoritative reference and input builder live on the scoring server;
editing this copy changes nothing except your own understanding.
"""

import jax, jax.numpy as jnp
import numpy as np

B = 4096; NCAT = 26; NNUM = 13; L = 200; EMB = 64; ATTN = 128; HID = 512
VCAT = 100001; VSEQ = 100001; TOPK = 30; FUSED = EMB * 4


def _qnn_block(x, w1, b1, w2, b2, wo, bo, g, be):
    quad = (x @ w1 + b1) * (x @ w2 + b2)
    y = x + quad @ wo + bo
    mu = jnp.mean(y, axis=-1, keepdims=True)
    var = jnp.var(y, axis=-1, keepdims=True)
    return g * (y - mu) / jnp.sqrt(var + 1e-5) + be


def setup_inputs(seed: int = 0) -> dict:
    key = jax.random.key(seed)
    ks = jax.random.split(key, 40)
    def w(i, shape, s=0.02):
        return jax.random.normal(ks[i], shape, dtype=jnp.float32) * s
    inp = {}
    inp['cats'] = jax.random.randint(ks[0], (B, NCAT), 0, 100000)
    inp['nums'] = jax.random.normal(ks[1], (B, NNUM), dtype=jnp.float32)
    inp['seqs'] = jax.random.randint(ks[2], (B, L), 0, 100000)
    inp['tgt_ids'] = jax.random.randint(ks[3], (B,), 0, 100000)
    inp['cat_emb'] = w(4, (VCAT, EMB), 0.05)
    inp['seq_emb'] = w(5, (VSEQ, EMB), 0.05)
    inp['num_w'] = w(6, (NNUM, EMB)); inp['num_b'] = jnp.zeros((EMB,), jnp.float32)
    inp['q_w'] = w(7, (EMB, ATTN)); inp['k_w'] = w(8, (EMB, ATTN)); inp['v_w'] = w(9, (EMB, ATTN))
    inp['ao_w'] = w(10, (ATTN, EMB)); inp['ao_b'] = jnp.zeros((EMB,), jnp.float32)
    inp['cp_w'] = w(11, (NCAT * EMB, EMB)); inp['cp_b'] = jnp.zeros((EMB,), jnp.float32)
    inp['mlp_w'] = w(12, (FUSED, HID)); inp['mlp_b'] = jnp.zeros((HID,), jnp.float32)
    for pfx, base in (('a', 13), ('b', 19)):
        inp[pfx + '_w1'] = w(base, (HID, HID)); inp[pfx + '_b1'] = jnp.zeros((HID,), jnp.float32)
        inp[pfx + '_w2'] = w(base + 1, (HID, HID)); inp[pfx + '_b2'] = jnp.zeros((HID,), jnp.float32)
        inp[pfx + '_wo'] = w(base + 2, (HID, HID)); inp[pfx + '_bo'] = jnp.zeros((HID,), jnp.float32)
        inp[pfx + '_g'] = jnp.ones((HID,), jnp.float32); inp[pfx + '_be'] = jnp.zeros((HID,), jnp.float32)
    inp['out_w'] = w(25, (HID, 1)); inp['out_b'] = jnp.zeros((1,), jnp.float32)
    return inp


def reference(cats, nums, seqs, tgt_ids, cat_emb, seq_emb, num_w, num_b, q_w, k_w, v_w,
              ao_w, ao_b, cp_w, cp_b, mlp_w, mlp_b,
              a_w1, a_b1, a_w2, a_b2, a_wo, a_bo, a_g, a_be,
              b_w1, b_b1, b_w2, b_b2, b_wo, b_bo, b_g, b_be,
              out_w, out_b):
    cat_e = jnp.take(cat_emb, cats, axis=0)                      # [B, NCAT, EMB]
    cat_pool = cat_e.reshape(cat_e.shape[0], -1) @ cp_w + cp_b   # [B, EMB]
    num_e = nums @ num_w + num_b                                 # [B, EMB]
    tgt_e = jnp.take(cat_emb, tgt_ids, axis=0)                   # [B, EMB]
    seq_e = jnp.take(seq_emb, seqs, axis=0)                      # [B, L, EMB]
    q = tgt_e @ q_w                                              # [B, ATTN]
    k = seq_e @ k_w                                              # [B, L, ATTN]
    v = seq_e @ v_w                                              # [B, L, ATTN]
    scores = jnp.einsum('bd,bld->bl', q, k) / jnp.sqrt(jnp.float32(ATTN))
    topk = min(TOPK, scores.shape[1])
    vals, idx = jax.lax.top_k(scores, topk)
    mask = jnp.zeros_like(scores).at[jnp.arange(scores.shape[0])[:, None], idx].set(1.0)
    masked = jnp.where(mask == 0, -jnp.inf, scores)
    attn_weights = jax.nn.softmax(masked, axis=1)
    interest = jnp.einsum('bl,bld->bd', attn_weights, v) @ ao_w + ao_b
    fused = jnp.concatenate([tgt_e, interest, cat_pool, num_e], axis=1)
    h = jax.nn.relu(fused @ mlp_w + mlp_b)
    h = _qnn_block(h, a_w1, a_b1, a_w2, a_b2, a_wo, a_bo, a_g, a_be)
    h = _qnn_block(h, b_w1, b_b1, b_w2, b_b2, b_wo, b_bo, b_g, b_be)
    logit = (h @ out_w + out_b)[:, 0]
    return logit

if __name__ == "__main__":
    import jax
    _d = setup_inputs()
    print(jax.jit(kernel)(*tuple(_d.values())))

</pallas_src>

<mosaic_0001>
#map = affine_map<(d0, d1) -> (0, 0)>
#map1 = affine_map<(d0, d1) -> (0, 0, 0)>
module attributes {stable_mosaic.version = 14 : i64} {
  func.func @_lambda_(%arg0: i32, %arg1: i32, %arg2: memref<100001x64xf32, #tpu.memory_space<hbm>>, %arg3: memref<32x200x128xi32, #tpu.memory_space<hbm>>, %arg4: memref<100001x64xf32, #tpu.memory_space<hbm>>, %arg5: memref<32x27x128xi32, #tpu.memory_space<hbm>>, %arg6: memref<819200x64xf32, #tpu.memory_space<hbm>>, %arg7: memref<110592x64xf32, #tpu.memory_space<hbm>>, %arg8: memref<200x128xi32, #tpu.memory_space<vmem>>, %arg9: memref<27x128xi32, #tpu.memory_space<vmem>>, %arg10: memref<1280x64xf32, #tpu.memory_space<vmem>>, %arg11: memref<!tpu.dma_semaphore, #tpu.memory_space<semaphore_mem>>) attributes {dimension_semantics = [#tpu.dimension_semantics<core_parallel>, #tpu.dimension_semantics<subcore_parallel>], iteration_bounds = array<i64: 2, 16>, scalar_prefetch = 0 : i64, scratch_operands = 4 : i64, tpu.core_type = #tpu.core_type<sc_vector_subcore>, window_params = [{transform_indices = #map}, {transform_indices = #map1}, {transform_indices = #map}, {transform_indices = #map1}, {transform_indices = #map}, {transform_indices = #map}]} {
    %mul3A = arith.constant 2 : i32
    %mul3A_0 = arith.muli %arg1, %mul3A : i32
    %add3A = arith.addi %mul3A_0, %arg0 : i32
    "tpu.region"() ({
      %run_scoped3A = tpu.sem_alloc : memref<!tpu.dma_semaphore, #tpu.memory_space<semaphore_mem>>
      %dma_start3A = arith.constant 0 : i32
      %dma_start3A_14 = arith.constant 0 : i32
      %dma_start3A_15 = tpu.memref_slice %arg3[%add3A, %dma_start3A, %dma_start3A_14] : memref<32x200x128xi32, #tpu.memory_space<hbm>> -> memref<1x200x128xi32, #tpu.memory_space<hbm>>
      %dma_start3A_16 = tpu.memref_squeeze %dma_start3A_15 : memref<1x200x128xi32, #tpu.memory_space<hbm>> -> memref<200x128xi32, #tpu.memory_space<hbm>>
      %dma_start3A_17 = arith.constant 0 : i32
      %dma_start3A_18 = arith.constant 0 : i32
      %dma_start3A_19 = tpu.memref_slice %arg3[%add3A, %dma_start3A_17, %dma_start3A_18] : memref<32x200x128xi32, #tpu.memory_space<hbm>> -> memref<1x200x128xi32, #tpu.memory_space<hbm>>
      %dma_start3A_20 = tpu.memref_squeeze %dma_start3A_19 : memref<1x200x128xi32, #tpu.memory_space<hbm>> -> memref<200x128xi32, #tpu.memory_space<hbm>>
      tpu.enqueue_dma source(%dma_start3A_20 : memref<200x128xi32, #tpu.memory_space<hbm>>) target(%arg8 : memref<200x128xi32, #tpu.memory_space<vmem>>) target_semaphore(%run_scoped3A : memref<!tpu.dma_semaphore, #tpu.memory_space<semaphore_mem>>)
      %dma_wait3A = arith.constant 0 : i32
      %dma_wait3A_21 = arith.constant 0 : i32
      %dma_wait3A_22 = tpu.memref_slice %arg3[%add3A, %dma_wait3A, %dma_wait3A_21] : memref<32x200x128xi32, #tpu.memory_space<hbm>> -> memref<1x200x128xi32, #tpu.memory_space<hbm>>
      %dma_wait3A_23 = tpu.memref_squeeze %dma_wait3A_22 : memref<1x200x128xi32, #tpu.memory_space<hbm>> -> memref<200x128xi32, #tpu.memory_space<hbm>>
      %dma_wait3A_24 = arith.constant 0 : i32
      %dma_wait3A_25 = arith.constant 0 : i32
      %dma_wait3A_26 = tpu.memref_slice %arg3[%add3A, %dma_wait3A_24, %dma_wait3A_25] : memref<32x200x128xi32, #tpu.memory_space<hbm>> -> memref<1x200x128xi32, #tpu.memory_space<hbm>>
      %dma_wait3A_27 = tpu.memref_squeeze %dma_wait3A_26 : memref<1x200x128xi32, #tpu.memory_space<hbm>> -> memref<200x128xi32, #tpu.memory_space<hbm>>
      tpu.wait_dma2 semaphore(%run_scoped3A : memref<!tpu.dma_semaphore, #tpu.memory_space<semaphore_mem>>) src(%dma_wait3A_27 : memref<200x128xi32, #tpu.memory_space<hbm>>) dst(%arg8 : memref<200x128xi32, #tpu.memory_space<vmem>>)
      tpu.yield
    }) : () -> ()
    %mul3A_1 = arith.constant 25600 : i32
    %mul3A_2 = arith.muli %add3A, %mul3A_1 : i32
    %scan3A = arith.constant 0 : i32
    %scan3A_3 = arith.constant 20 : i32
    %scan3A_4 = arith.addi %scan3A, %scan3A_3 : i32
    %scan3A_5 = arith.constant 1 : i32
    scf.for %scan3A_14 = %scan3A to %scan3A_4 step %scan3A_5  : i32 {
      %mul3A_15 = arith.constant 1 : i32
      %mul3A_16 = arith.muli %scan3A_14, %mul3A_15 : i32
      %add3A_17 = arith.constant 0 : i32
      %add3A_18 = arith.addi %add3A_17, %mul3A_16 : i32
      %mul3A_19 = arith.constant 10 : i32
      %mul3A_20 = arith.muli %add3A_18, %mul3A_19 : i32
      %add3A_21 = arith.constant 0 : i32
      %add3A_22 = arith.addi %mul3A_20, %add3A_21 : i32
      %dma_start3A = arith.constant 0 : i32
      %dma_start3A_23 = arith.constant 0 : i32
      %dma_start3A_24 = tpu.memref_slice %arg10[%dma_start3A, %dma_start3A_23] : memref<1280x64xf32, #tpu.memory_space<vmem>> -> memref<128x64xf32, #tpu.memory_space<vmem>>
      %dma_start3A_25 = arith.constant 0 : i32
      %dma_start3A_26 = tpu.memref_slice %arg8[%add3A_22, %dma_start3A_25] : memref<200x128xi32, #tpu.memory_space<vmem>> -> memref<1x128xi32, #tpu.memory_space<vmem>>
      %dma_start3A_27 = tpu.memref_squeeze %dma_start3A_26 : memref<1x128xi32, #tpu.memory_space<vmem>> -> memref<128xi32, #tpu.memory_space<vmem>>
      %dma_start3A_28 = arith.constant 0 : i32
      %dma_start3A_29 = arith.constant 0 : i32
      %dma_start3A_30 = tpu.memref_slice %arg2[%dma_start3A_28, %dma_start3A_29] : memref<100001x64xf32, #tpu.memory_space<hbm>> -> memref<100001x64xf32, #tpu.memory_space<hbm>>
      tpu.enqueue_indirect_dma source(%dma_start3A_30 : memref<100001x64xf32, #tpu.memory_space<hbm>>) target(%dma_start3A_24 : memref<128x64xf32, #tpu.memory_space<vmem>>) offsets(%dma_start3A_27 : memref<128xi32, #tpu.memory_space<vmem>>) semaphore(%arg11 : memref<!tpu.dma_semaphore, #tpu.memory_space<semaphore_mem>>)
      %mul3A_31 = arith.constant 10 : i32
      %mul3A_32 = arith.muli %add3A_18, %mul3A_31 : i32
      %add3A_33 = arith.constant 1 : i32
      %add3A_34 = arith.addi %mul3A_32, %add3A_33 : i32
      %dma_start3A_35 = arith.constant 128 : i32
      %dma_start3A_36 = arith.constant 0 : i32
      %dma_start3A_37 = tpu.memref_slice %arg10[%dma_start3A_35, %dma_start3A_36] : memref<1280x64xf32, #tpu.memory_space<vmem>> -> memref<128x64xf32, #tpu.memory_space<vmem>>
      %dma_start3A_38 = arith.constant 0 : i32
      %dma_start3A_39 = tpu.memref_slice %arg8[%add3A_34, %dma_start3A_38] : memref<200x128xi32, #tpu.memory_space<vmem>> -> memref<1x128xi32, #tpu.memory_space<vmem>>
      %dma_start3A_40 = tpu.memref_squeeze %dma_start3A_39 : memref<1x128xi32, #tpu.memory_space<vmem>> -> memref<128xi32, #tpu.memory_space<vmem>>
      %dma_start3A_41 = arith.constant 0 : i32
      %dma_start3A_42 = arith.constant 0 : i32
      %dma_start3A_43 = tpu.memref_slice %arg2[%dma_start3A_41, %dma_start3A_42] : memref<100001x64xf32, #tpu.memory_space<hbm>> -> memref<100001x64xf32, #tpu.memory_space<hbm>>
      tpu.enqueue_indirect_dma source(%dma_start3A_43 : memref<100001x64xf32, #tpu.memory_space<hbm>>) target(%dma_start3A_37 : memref<128x64xf32, #tpu.memory_space<vmem>>) offsets(%dma_start3A_40 : memref<128xi32, #tpu.memory_space<vmem>>) semaphore(%arg11 : memref<!tpu.dma_semaphore, #tpu.memory_space<semaphore_mem>>)
      %mul3A_44 = arith.constant 10 : i32
      %mul3A_45 = arith.muli %add3A_18, %mul3A_44 : i32
      %add3A_46 = arith.constant 2 : i32
      %add3A_47 = arith.addi %mul3A_45, %add3A_46 : i32
      %dma_start3A_48 = arith.constant 256 : i32
      %dma_start3A_49 = arith.constant 0 : i32
      %dma_start3A_50 = tpu.memref_slice %arg10[%dma_start3A_48, %dma_start3A_49] : memref<1280x64xf32, #tpu.memory_space<vmem>> -> memref<128x64xf32, #tpu.memory_space<vmem>>
      %dma_start3A_51 = arith.constant 0 : i32
      %dma_start3A_52 = tpu.memref_slice %arg8[%add3A_47, %dma_start3A_51] : memref<200x128xi32, #tpu.memory_space<vmem>> -> memref<1x128xi32, #tpu.memory_space<vmem>>
      %dma_start3A_53 = tpu.memref_squeeze %dma_start3A_52 : memref<1x128xi32, #tpu.memory_space<vmem>> -> memref<128xi32, #tpu.memory_space<vmem>>
      %dma_start3A_54 = arith.constant 0 : i32
      %dma_start3A_55 = arith.constant 0 : i32
      %dma_start3A_56 = tpu.memref_slice %arg2[%dma_start3A_54, %dma_start3A_55] : memref<100001x64xf32, #tpu.memory_space<hbm>> -> memref<100001x64xf32, #tpu.memory_space<hbm>>
      tpu.enqueue_indirect_dma source(%dma_start3A_56 : memref<100001x64xf32, #tpu.memory_space<hbm>>) target(%dma_start3A_50 : memref<128x64xf32, #tpu.memory_space<vmem>>) offsets(%dma_start3A_53 : memref<128xi32, #tpu.memory_space<vmem>>) semaphore(%arg11 : memref<!tpu.dma_semaphore, #tpu.memory_space<semaphore_mem>>)
      %mul3A_57 = arith.constant 10 : i32
      %mul3A_58 = arith.muli %add3A_18, %mul3A_57 : i32
      %add3A_59 = arith.constant 3 : i32
      %add3A_60 = arith.addi %mul3A_58, %add3A_59 : i32
      %dma_start3A_61 = arith.constant 384 : i32
      %dma_start3A_62 = arith.constant 0 : i32
      %dma_start3A_63 = tpu.memref_slice %arg10[%dma_start3A_61, %dma_start3A_62] : memref<1280x64xf32, #tpu.memory_space<vmem>> -> memref<128x64xf32, #tpu.memory_space<vmem>>
      %dma_start3A_64 = arith.constant 0 : i32
      %dma_start3A_65 = tpu.memref_slice %arg8[%add3A_60, %dma_start3A_64] : memref<200x128xi32, #tpu.memory_space<vmem>> -> memref<1x128xi32, #tpu.memory_space<vmem>>
      %dma_start3A_66 = tpu.memref_squeeze %dma_start3A_65 : memref<1x128xi32, #tpu.memory_space<vmem>> -> memref<128xi32, #tpu.memory_space<vmem>>
      %dma_start3A_67 = arith.constant 0 : i32
      %dma_start3A_68 = arith.constant 0 : i32
      %dma_start3A_69 = tpu.memref_slice %arg2[%dma_start3A_67, %dma_start3A_68] : memref<100001x64xf32, #tpu.memory_space<hbm>> -> memref<100001x64xf32, #tpu.memory_space<hbm>>
      tpu.enqueue_indirect_dma source(%dma_start3A_69 : memref<100001x64xf32, #tpu.memory_space<hbm>>) target(%dma_start3A_63 : memref<128x64xf32, #tpu.memory_space<vmem>>) offsets(%dma_start3A_66 : memref<128xi32, #tpu.memory_space<vmem>>) semaphore(%arg11 : memref<!tpu.dma_semaphore, #tpu.memory_space<semaphore_mem>>)
      %mul3A_70 = arith.constant 10 : i32
      %mul3A_71 = arith.muli %add3A_18, %mul3A_70 : i32
      %add3A_72 = arith.constant 4 : i32
      %add3A_73 = arith.addi %mul3A_71, %add3A_72 : i32
      %dma_start3A_74 = arith.constant 512 : i32
      %dma_start3A_75 = arith.constant 0 : i32
      %dma_start3A_76 = tpu.memref_slice %arg10[%dma_start3A_74, %dma_start3A_75] : memref<1280x64xf32, #tpu.memory_space<vmem>> -> memref<128x64xf32, #tpu.memory_space<vmem>>
      %dma_start3A_77 = arith.constant 0 : i32
      %dma_start3A_78 = tpu.memref_slice %arg8[%add3A_73, %dma_start3A_77] : memref<200x128xi32, #tpu.memory_space<vmem>> -> memref<1x128xi32, #tpu.memory_space<vmem>>
      %dma_start3A_79 = tpu.memref_squeeze %dma_start3A_78 : memref<1x128xi32, #tpu.memory_space<vmem>> -> memref<128xi32, #tpu.memory_space<vmem>>
      %dma_start3A_80 = arith.constant 0 : i32
      %dma_start3A_81 = arith.constant 0 : i32
      %dma_start3A_82 = tpu.memref_slice %arg2[%dma_start3A_80, %dma_start3A_81] : memref<100001x64xf32, #tpu.memory_space<hbm>> -> memref<100001x64xf32, #tpu.memory_space<hbm>>
      tpu.enqueue_indirect_dma source(%dma_start3A_82 : memref<100001x64xf32, #tpu.memory_space<hbm>>) target(%dma_start3A_76 : memref<128x64xf32, #tpu.memory_space<vmem>>) offsets(%dma_start3A_79 : memref<128xi32, #tpu.memory_space<vmem>>) semaphore(%arg11 : memref<!tpu.dma_semaphore, #tpu.memory_space<semaphore_mem>>)
      %mul3A_83 = arith.constant 10 : i32
      %mul3A_84 = arith.muli %add3A_18, %mul3A_83 : i32
      %add3A_85 = arith.constant 5 : i32
      %add3A_86 = arith.addi %mul3A_84, %add3A_85 : i32
      %dma_start3A_87 = arith.constant 640 : i32
      %dma_start3A_88 = arith.constant 0 : i32
      %dma_start3A_89 = tpu.memref_slice %arg10[%dma_start3A_87, %dma_start3A_88] : memref<1280x64xf32, #tpu.memory_space<vmem>> -> memref<128x64xf32, #tpu.memory_space<vmem>>
      %dma_start3A_90 = arith.constant 0 : i32
      %dma_start3A_91 = tpu.memref_slice %arg8[%add3A_86, %dma_start3A_90] : memref<200x128xi32, #tpu.memory_space<vmem>> -> memref<1x128xi32, #tpu.memory_space<vmem>>
      %dma_start3A_92 = tpu.memref_squeeze %dma_start3A_91 : memref<1x128xi32, #tpu.memory_space<vmem>> -> memref<128xi32, #tpu.memory_space<vmem>>
      %dma_start3A_93 = arith.constant 0 : i32
      %dma_start3A_94 = arith.constant 0 : i32
      %dma_start3A_95 = tpu.memref_slice %arg2[%dma_start3A_93, %dma_start3A_94] : memref<100001x64xf32, #tpu.memory_space<hbm>> -> memref<100001x64xf32, #tpu.memory_space<hbm>>
      tpu.enqueue_indirect_dma source(%dma_start3A_95 : memref<100001x64xf32, #tpu.memory_space<hbm>>) target(%dma_start3A_89 : memref<128x64xf32, #tpu.memory_space<vmem>>) offsets(%dma_start3A_92 : memref<128xi32, #tpu.memory_space<vmem>>) semaphore(%arg11 : memref<!tpu.dma_semaphore, #tpu.memory_space<semaphore_mem>>)
      %mul3A_96 = arith.constant 10 : i32
      %mul3A_97 = arith.muli %add3A_18, %mul3A_96 : i32
      %add3A_98 = arith.constant 6 : i32
      %add3A_99 = arith.addi %mul3A_97, %add3A_98 : i32
      %dma_start3A_100 = arith.constant 768 : i32
      %dma_start3A_101 = arith.constant 0 : i32
      %dma_start3A_102 = tpu.memref_slice %arg10[%dma_start3A_100, %dma_start3A_101] : memref<1280x64xf32, #tpu.memory_space<vmem>> -> memref<128x64xf32, #tpu.memory_space<vmem>>
      %dma_start3A_103 = arith.constant 0 : i32
      %dma_start3A_104 = tpu.memref_slice %arg8[%add3A_99, %dma_start3A_103] : memref<200x128xi32, #tpu.memory_space<vmem>> -> memref<1x128xi32, #tpu.memory_space<vmem>>
      %dma_start3A_105 = tpu.memref_squeeze %dma_start3A_104 : memref<1x128xi32, #tpu.memory_space<vmem>> -> memref<128xi32, #tpu.memory_space<vmem>>
      %dma_start3A_106 = arith.constant 0 : i32
      %dma_start3A_107 = arith.constant 0 : i32
      %dma_start3A_108 = tpu.memref_slice %arg2[%dma_start3A_106, %dma_start3A_107] : memref<100001x64xf32, #tpu.memory_space<hbm>> -> memref<100001x64xf32, #tpu.memory_space<hbm>>
      tpu.enqueue_indirect_dma source(%dma_start3A_108 : memref<100001x64xf32, #tpu.memory_space<hbm>>) target(%dma_start3A_102 : memref<128x64xf32, #tpu.memory_space<vmem>>) offsets(%dma_start3A_105 : memref<128xi32, #tpu.memory_space<vmem>>) semaphore(%arg11 : memref<!tpu.dma_semaphore, #tpu.memory_space<semaphore_mem>>)
      %mul3A_109 = arith.constant 10 : i32
      %mul3A_110 = arith.muli %add3A_18, %mul3A_109 : i32
      %add3A_111 = arith.constant 7 : i32
      %add3A_112 = arith.addi %mul3A_110, %add3A_111 : i32
      %dma_start3A_113 = arith.constant 896 : i32
      %dma_start3A_114 = arith.constant 0 : i32
      %dma_start3A_115 = tpu.memref_slice %arg10[%dma_start3A_113, %dma_start3A_114] : memref<1280x64xf32, #tpu.memory_space<vmem>> -> memref<128x64xf32, #tpu.memory_space<vmem>>
      %dma_start3A_116 = arith.constant 0 : i32
      %dma_start3A_117 = tpu.memref_slice %arg8[%add3A_112, %dma_start3A_116] : memref<200x128xi32, #tpu.memory_space<vmem>> -> memref<1x128xi32, #tpu.memory_space<vmem>>
      %dma_start3A_118 = tpu.memref_squeeze %dma_start3A_117 : memref<1x128xi32, #tpu.memory_space<vmem>> -> memref<128xi32, #tpu.memory_space<vmem>>
      %dma_start3A_119 = arith.constant 0 : i32
      %dma_start3A_120 = arith.constant 0 : i32
      %dma_start3A_121 = tpu.memref_slice %arg2[%dma_start3A_119, %dma_start3A_120] : memref<100001x64xf32, #tpu.memory_space<hbm>> -> memref<100001x64xf32, #tpu.memory_space<hbm>>
      tpu.enqueue_indirect_dma source(%dma_start3A_121 : memref<100001x64xf32, #tpu.memory_space<hbm>>) target(%dma_start3A_115 : memref<128x64xf32, #tpu.memory_space<vmem>>) offsets(%dma_start3A_118 : memref<128xi32, #tpu.memory_space<vmem>>) semaphore(%arg11 : memref<!tpu.dma_semaphore, #tpu.memory_space<semaphore_mem>>)
      %mul3A_122 = arith.constant 10 : i32
      %mul3A_123 = arith.muli %add3A_18, %mul3A_122 : i32
      %add3A_124 = arith.constant 8 : i32
      %add3A_125 = arith.addi %mul3A_123, %add3A_124 : i32
      %dma_start3A_126 = arith.constant 1024 : i32
      %dma_start3A_127 = arith.constant 0 : i32
      %dma_start3A_128 = tpu.memref_slice %arg10[%dma_start3A_126, %dma_start3A_127] : memref<1280x64xf32, #tpu.memory_space<vmem>> -> memref<128x64xf32, #tpu.memory_space<vmem>>
      %dma_start3A_129 = arith.constant 0 : i32
      %dma_start3A_130 = tpu.memref_slice %arg8[%add3A_125, %dma_start3A_129] : memref<200x128xi32, #tpu.memory_space<vmem>> -> memref<1x128xi32, #tpu.memory_space<vmem>>
      %dma_start3A_131 = tpu.memref_squeeze %dma_start3A_130 : memref<1x128xi32, #tpu.memory_space<vmem>> -> memref<128xi32, #tpu.memory_space<vmem>>
      %dma_start3A_132 = arith.constant 0 : i32
      %dma_start3A_133 = arith.constant 0 : i32
      %dma_start3A_134 = tpu.memref_slice %arg2[%dma_start3A_132, %dma_start3A_133] : memref<100001x64xf32, #tpu.memory_space<hbm>> -> memref<100001x64xf32, #tpu.memory_space<hbm>>
      tpu.enqueue_indirect_dma source(%dma_start3A_134 : memref<100001x64xf32, #tpu.memory_space<hbm>>) target(%dma_start3A_128 : memref<128x64xf32, #tpu.memory_space<vmem>>) offsets(%dma_start3A_131 : memref<128xi32, #tpu.memory_space<vmem>>) semaphore(%arg11 : memref<!tpu.dma_semaphore, #tpu.memory_space<semaphore_mem>>)
      %mul3A_135 = arith.constant 10 : i32
      %mul3A_136 = arith.muli %add3A_18, %mul3A_135 : i32
      %add3A_137 = arith.constant 9 : i32
      %add3A_138 = arith.addi %mul3A_136, %add3A_137 : i32
      %dma_start3A_139 = arith.constant 1152 : i32
      %dma_start3A_140 = arith.constant 0 : i32
      %dma_start3A_141 = tpu.memref_slice %arg10[%dma_start3A_139, %dma_start3A_140] : memref<1280x64xf32, #tpu.memory_space<vmem>> -> memref<128x64xf32, #tpu.memory_space<vmem>>
      %dma_start3A_142 = arith.constant 0 : i32
      %dma_start3A_143 = tpu.memref_slice %arg8[%add3A_138, %dma_start3A_142] : memref<200x128xi32, #tpu.memory_space<vmem>> -> memref<1x128xi32, #tpu.memory_space<vmem>>
      %dma_start3A_144 = tpu.memref_squeeze %dma_start3A_143 : memref<1x128xi32, #tpu.memory_space<vmem>> -> memref<128xi32, #tpu.memory_space<vmem>>
      %dma_start3A_145 = arith.constant 0 : i32
      %dma_start3A_146 = arith.constant 0 : i32
      %dma_start3A_147 = tpu.memref_slice %arg2[%dma_start3A_145, %dma_start3A_146] : memref<100001x64xf32, #tpu.memory_space<hbm>> -> memref<100001x64xf32, #tpu.memory_space<hbm>>
      tpu.enqueue_indirect_dma source(%dma_start3A_147 : memref<100001x64xf32, #tpu.memory_space<hbm>>) target(%dma_start3A_141 : memref<128x64xf32, #tpu.memory_space<vmem>>) offsets(%dma_start3A_144 : memref<128xi32, #tpu.memory_space<vmem>>) semaphore(%arg11 : memref<!tpu.dma_semaphore, #tpu.memory_space<semaphore_mem>>)
      %dma_wait3A = arith.constant 0 : i32
      %dma_wait3A_148 = arith.constant 0 : i32
      %dma_wait3A_149 = tpu.memref_slice %arg10[%dma_wait3A, %dma_wait3A_148] : memref<1280x64xf32, #tpu.memory_space<vmem>> -> memref<128x64xf32, #tpu.memory_space<vmem>>
      %dma_wait3A_150 = arith.constant 0 : i32
      %dma_wait3A_151 = tpu.memref_slice %arg8[%add3A_22, %dma_wait3A_150] : memref<200x128xi32, #tpu.memory_space<vmem>> -> memref<1x128xi32, #tpu.memory_space<vmem>>
      %dma_wait3A_152 = tpu.memref_squeeze %dma_wait3A_151 : memref<1x128xi32, #tpu.memory_space<vmem>> -> memref<128xi32, #tpu.memory_space<vmem>>
      %dma_wait3A_153 = arith.constant 0 : i32
      %dma_wait3A_154 = arith.constant 0 : i32
      %dma_wait3A_155 = tpu.memref_slice %arg2[%dma_wait3A_153, %dma_wait3A_154] : memref<100001x64xf32, #tpu.memory_space<hbm>> -> memref<100001x64xf32, #tpu.memory_space<hbm>>
      tpu.wait_indirect_dma semaphore(%arg11 : memref<!tpu.dma_semaphore, #tpu.memory_space<semaphore_mem>>) src(%dma_wait3A_155 : memref<100001x64xf32, #tpu.memory_space<hbm>>) dst(%dma_wait3A_149 : memref<128x64xf32, #tpu.memory_space<vmem>>)
      %dma_wait3A_156 = arith.constant 128 : i32
      %dma_wait3A_157 = arith.constant 0 : i32
      %dma_wait3A_158 = tpu.memref_slice %arg10[%dma_wait3A_156, %dma_wait3A_157] : memref<1280x64xf32, #tpu.memory_space<vmem>> -> memref<128x64xf32, #tpu.memory_space<vmem>>
      %dma_wait3A_159 = arith.constant 0 : i32
      %dma_wait3A_160 = tpu.memref_slice %arg8[%add3A_34, %dma_wait3A_159] : memref<200x128xi32, #tpu.memory_space<vmem>> -> memref<1x128xi32, #tpu.memory_space<vmem>>
      %dma_wait3A_161 = tpu.memref_squeeze %dma_wait3A_160 : memref<1x128xi32, #tpu.memory_space<vmem>> -> memref<128xi32, #tpu.memory_space<vmem>>
      %dma_wait3A_162 = arith.constant 0 : i32
      %dma_wait3A_163 = arith.constant 0 : i32
      %dma_wait3A_164 = tpu.memref_slice %arg2[%dma_wait3A_162, %dma_wait3A_163] : memref<100001x64xf32, #tpu.memory_space<hbm>> -> memref<100001x64xf32, #tpu.memory_space<hbm>>
      tpu.wait_indirect_dma semaphore(%arg11 : memref<!tpu.dma_semaphore, #tpu.memory_space<semaphore_mem>>) src(%dma_wait3A_164 : memref<100001x64xf32, #tpu.memory_space<hbm>>) dst(%dma_wait3A_158 : memref<128x64xf32, #tpu.memory_space<vmem>>)
      %dma_wait3A_165 = arith.constant 256 : i32
      %dma_wait3A_166 = arith.constant 0 : i32
      %dma_wait3A_167 = tpu.memref_slice %arg10[%dma_wait3A_165, %dma_wait3A_166] : memref<1280x64xf32, #tpu.memory_space<vmem>> -> memref<128x64xf32, #tpu.memory_space<vmem>>
      %dma_wait3A_168 = arith.constant 0 : i32
      %dma_wait3A_169 = tpu.memref_slice %arg8[%add3A_47, %dma_wait3A_168] : memref<200x128xi32, #tpu.memory_space<vmem>> -> memref<1x128xi32, #tpu.memory_space<vmem>>
      %dma_wait3A_170 = tpu.memref_squeeze %dma_wait3A_169 : memref<1x128xi32, #tpu.memory_space<vmem>> -> memref<128xi32, #tpu.memory_space<vmem>>
      %dma_wait3A_171 = arith.constant 0 : i32
      %dma_wait3A_172 = arith.constant 0 : i32
      %dma_wait3A_173 = tpu.memref_slice %arg2[%dma_wait3A_171, %dma_wait3A_172] : memref<100001x64xf32, #tpu.memory_space<hbm>> -> memref<100001x64xf32, #tpu.memory_space<hbm>>
      tpu.wait_indirect_dma semaphore(%arg11 : memref<!tpu.dma_semaphore, #tpu.memory_space<semaphore_mem>>) src(%dma_wait3A_173 : memref<100001x64xf32, #tpu.memory_space<hbm>>) dst(%dma_wait3A_167 : memref<128x64xf32, #tpu.memory_space<vmem>>)
      %dma_wait3A_174 = arith.constant 384 : i32
      %dma_wait3A_175 = arith.constant 0 : i32
      %dma_wait3A_176 = tpu.memref_slice %arg10[%dma_wait3A_174, %dma_wait3A_175] : memref<1280x64xf32, #tpu.memory_space<vmem>> -> memref<128x64xf32, #tpu.memory_space<vmem>>
      %dma_wait3A_177 = arith.constant 0 : i32
      %dma_wait3A_178 = tpu.memref_slice %arg8[%add3A_60, %dma_wait3A_177] : memref<200x128xi32, #tpu.memory_space<vmem>> -> memref<1x128xi32, #tpu.memory_space<vmem>>
      %dma_wait3A_179 = tpu.memref_squeeze %dma_wait3A_178 : memref<1x128xi32, #tpu.memory_space<vmem>> -> memref<128xi32, #tpu.memory_space<vmem>>
      %dma_wait3A_180 = arith.constant 0 : i32
      %dma_wait3A_181 = arith.constant 0 : i32
      %dma_wait3A_182 = tpu.memref_slice %arg2[%dma_wait3A_180, %dma_wait3A_181] : memref<100001x64xf32, #tpu.memory_space<hbm>> -> memref<100001x64xf32, #tpu.memory_space<hbm>>
      tpu.wait_indirect_dma semaphore(%arg11 : memref<!tpu.dma_semaphore, #tpu.memory_space<semaphore_mem>>) src(%dma_wait3A_182 : memref<100001x64xf32, #tpu.memory_space<hbm>>) dst(%dma_wait3A_176 : memref<128x64xf32, #tpu.memory_space<vmem>>)
      %dma_wait3A_183 = arith.constant 512 : i32
      %dma_wait3A_184 = arith.constant 0 : i32
      %dma_wait3A_185 = tpu.memref_slice %arg10[%dma_wait3A_183, %dma_wait3A_184] : memref<1280x64xf32, #tpu.memory_space<vmem>> -> memref<128x64xf32, #tpu.memory_space<vmem>>
      %dma_wait3A_186 = arith.constant 0 : i32
      %dma_wait3A_187 = tpu.memref_slice %arg8[%add3A_73, %dma_wait3A_186] : memref<200x128xi32, #tpu.memory_space<vmem>> -> memref<1x128xi32, #tpu.memory_space<vmem>>
      %dma_wait3A_188 = tpu.memref_squeeze %dma_wait3A_187 : memref<1x128xi32, #tpu.memory_space<vmem>> -> memref<128xi32, #tpu.memory_space<vmem>>
      %dma_wait3A_189 = arith.constant 0 : i32
      %dma_wait3A_190 = arith.constant 0 : i32
      %dma_wait3A_191 = tpu.memref_slice %arg2[%dma_wait3A_189, %dma_wait3A_190] : memref<100001x64xf32, #tpu.memory_space<hbm>> -> memref<100001x64xf32, #tpu.memory_space<hbm>>
      tpu.wait_indirect_dma semaphore(%arg11 : memref<!tpu.dma_semaphore, #tpu.memory_space<semaphore_mem>>) src(%dma_wait3A_191 : memref<100001x64xf32, #tpu.memory_space<hbm>>) dst(%dma_wait3A_185 : memref<128x64xf32, #tpu.memory_space<vmem>>)
      %dma_wait3A_192 = arith.constant 640 : i32
      %dma_wait3A_193 = arith.constant 0 : i32
      %dma_wait3A_194 = tpu.memref_slice %arg10[%dma_wait3A_192, %dma_wait3A_193] : memref<1280x64xf32, #tpu.memory_space<vmem>> -> memref<128x64xf32, #tpu.memory_space<vmem>>
      %dma_wait3A_195 = arith.constant 0 : i32
      %dma_wait3A_196 = tpu.memref_slice %arg8[%add3A_86, %dma_wait3A_195] : memref<200x128xi32, #tpu.memory_space<vmem>> -> memref<1x128xi32, #tpu.memory_space<vmem>>
      %dma_wait3A_197 = tpu.memref_squeeze %dma_wait3A_196 : memref<1x128xi32, #tpu.memory_space<vmem>> -> memref<128xi32, #tpu.memory_space<vmem>>
      %dma_wait3A_198 = arith.constant 0 : i32
      %dma_wait3A_199 = arith.constant 0 : i32
      %dma_wait3A_200 = tpu.memref_slice %arg2[%dma_wait3A_198, %dma_wait3A_199] : memref<100001x64xf32, #tpu.memory_space<hbm>> -> memref<100001x64xf32, #tpu.memory_space<hbm>>
      tpu.wait_indirect_dma semaphore(%arg11 : memref<!tpu.dma_semaphore, #tpu.memory_space<semaphore_mem>>) src(%dma_wait3A_200 : memref<100001x64xf32, #tpu.memory_space<hbm>>) dst(%dma_wait3A_194 : memref<128x64xf32, #tpu.memory_space<vmem>>)
      %dma_wait3A_201 = arith.constant 768 : i32
      %dma_wait3A_202 = arith.constant 0 : i32
      %dma_wait3A_203 = tpu.memref_slice %arg10[%dma_wait3A_201, %dma_wait3A_202] : memref<1280x64xf32, #tpu.memory_space<vmem>> -> memref<128x64xf32, #tpu.memory_space<vmem>>
      %dma_wait3A_204 = arith.constant 0 : i32
      %dma_wait3A_205 = tpu.memref_slice %arg8[%add3A_99, %dma_wait3A_204] : memref<200x128xi32, #tpu.memory_space<vmem>> -> memref<1x128xi32, #tpu.memory_space<vmem>>
      %dma_wait3A_206 = tpu.memref_squeeze %dma_wait3A_205 : memref<1x128xi32, #tpu.memory_space<vmem>> -> memref<128xi32, #tpu.memory_space<vmem>>
      %dma_wait3A_207 = arith.constant 0 : i32
      %dma_wait3A_208 = arith.constant 0 : i32
      %dma_wait3A_209 = tpu.memref_slice %arg2[%dma_wait3A_207, %dma_wait3A_208] : memref<100001x64xf32, #tpu.memory_space<hbm>> -> memref<100001x64xf32, #tpu.memory_space<hbm>>
      tpu.wait_indirect_dma semaphore(%arg11 : memref<!tpu.dma_semaphore, #tpu.memory_space<semaphore_mem>>) src(%dma_wait3A_209 : memref<100001x64xf32, #tpu.memory_space<hbm>>) dst(%dma_wait3A_203 : memref<128x64xf32, #tpu.memory_space<vmem>>)
      %dma_wait3A_210 = arith.constant 896 : i32
      %dma_wait3A_211 = arith.constant 0 : i32
      %dma_wait3A_212 = tpu.memref_slice %arg10[%dma_wait3A_210, %dma_wait3A_211] : memref<1280x64xf32, #tpu.memory_space<vmem>> -> memref<128x64xf32, #tpu.memory_space<vmem>>
      %dma_wait3A_213 = arith.constant 0 : i32
      %dma_wait3A_214 = tpu.memref_slice %arg8[%add3A_112, %dma_wait3A_213] : memref<200x128xi32, #tpu.memory_space<vmem>> -> memref<1x128xi32, #tpu.memory_space<vmem>>
      %dma_wait3A_215 = tpu.memref_squeeze %dma_wait3A_214 : memref<1x128xi32, #tpu.memory_space<vmem>> -> memref<128xi32, #tpu.memory_space<vmem>>
      %dma_wait3A_216 = arith.constant 0 : i32
      %dma_wait3A_217 = arith.constant 0 : i32
      %dma_wait3A_218 = tpu.memref_slice %arg2[%dma_wait3A_216, %dma_wait3A_217] : memref<100001x64xf32, #tpu.memory_space<hbm>> -> memref<100001x64xf32, #tpu.memory_space<hbm>>
      tpu.wait_indirect_dma semaphore(%arg11 : memref<!tpu.dma_semaphore, #tpu.memory_space<semaphore_mem>>) src(%dma_wait3A_218 : memref<100001x64xf32, #tpu.memory_space<hbm>>) dst(%dma_wait3A_212 : memref<128x64xf32, #tpu.memory_space<vmem>>)
      %dma_wait3A_219 = arith.constant 1024 : i32
      %dma_wait3A_220 = arith.constant 0 : i32
      %dma_wait3A_221 = tpu.memref_slice %arg10[%dma_wait3A_219, %dma_wait3A_220] : memref<1280x64xf32, #tpu.memory_space<vmem>> -> memref<128x64xf32, #tpu.memory_space<vmem>>
      %dma_wait3A_222 = arith.constant 0 : i32
      %dma_wait3A_223 = tpu.memref_slice %arg8[%add3A_125, %dma_wait3A_222] : memref<200x128xi32, #tpu.memory_space<vmem>> -> memref<1x128xi32, #tpu.memory_space<vmem>>
      %dma_wait3A_224 = tpu.memref_squeeze %dma_wait3A_223 : memref<1x128xi32, #tpu.memory_space<vmem>> -> memref<128xi32, #tpu.memory_space<vmem>>
      %dma_wait3A_225 = arith.constant 0 : i32
      %dma_wait3A_226 = arith.constant 0 : i32
      %dma_wait3A_227 = tpu.memref_slice %arg2[%dma_wait3A_225, %dma_wait3A_226] : memref<100001x64xf32, #tpu.memory_space<hbm>> -> memref<100001x64xf32, #tpu.memory_space<hbm>>
      tpu.wait_indirect_dma semaphore(%arg11 : memref<!tpu.dma_semaphore, #tpu.memory_space<semaphore_mem>>) src(%dma_wait3A_227 : memref<100001x64xf32, #tpu.memory_space<hbm>>) dst(%dma_wait3A_221 : memref<128x64xf32, #tpu.memory_space<vmem>>)
      %dma_wait3A_228 = arith.constant 1152 : i32
      %dma_wait3A_229 = arith.constant 0 : i32
      %dma_wait3A_230 = tpu.memref_slice %arg10[%dma_wait3A_228, %dma_wait3A_229] : memref<1280x64xf32, #tpu.memory_space<vmem>> -> memref<128x64xf32, #tpu.memory_space<vmem>>
      %dma_wait3A_231 = arith.constant 0 : i32
      %dma_wait3A_232 = tpu.memref_slice %arg8[%add3A_138, %dma_wait3A_231] : memref<200x128xi32, #tpu.memory_space<vmem>> -> memref<1x128xi32, #tpu.memory_space<vmem>>
      %dma_wait3A_233 = tpu.memref_squeeze %dma_wait3A_232 : memref<1x128xi32, #tpu.memory_space<vmem>> -> memref<128xi32, #tpu.memory_space<vmem>>
      %dma_wait3A_234 = arith.constant 0 : i32
      %dma_wait3A_235 = arith.constant 0 : i32
      %dma_wait3A_236 = tpu.memref_slice %arg2[%dma_wait3A_234, %dma_wait3A_235] : memref<100001x64xf32, #tpu.memory_space<hbm>> -> memref<100001x64xf32, #tpu.memory_space<hbm>>
      tpu.wait_indirect_dma semaphore(%arg11 : memref<!tpu.dma_semaphore, #tpu.memory_space<semaphore_mem>>) src(%dma_wait3A_236 : memref<100001x64xf32, #tpu.memory_space<hbm>>) dst(%dma_wait3A_230 : memref<128x64xf32, #tpu.memory_space<vmem>>)
      %mul3A_237 = arith.constant 1280 : i32
      %mul3A_238 = arith.muli %add3A_18, %mul3A_237 : i32
      %add3A_239 = arith.addi %mul3A_2, %mul3A_238 : i32
      "tpu.region"() ({
        %run_scoped3A = tpu.sem_alloc : memref<!tpu.dma_semaphore, #tpu.memory_space<semaphore_mem>>
        %dma_start3A_240 = arith.constant 0 : i32
        %dma_start3A_241 = arith.constant 0 : i32
        %dma_start3A_242 = tpu.memref_slice %arg10[%dma_start3A_240, %dma_start3A_241] : memref<1280x64xf32, #tpu.memory_space<vmem>> -> memref<1280x64xf32, #tpu.memory_space<vmem>>
        %dma_start3A_243 = arith.constant 0 : i32
        %dma_start3A_244 = tpu.memref_slice %arg6[%add3A_239, %dma_start3A_243] : memref<819200x64xf32, #tpu.memory_space<hbm>> -> memref<1280x64xf32, #tpu.memory_space<hbm>>
        %dma_start3A_245 = arith.constant 0 : i32
        %dma_start3A_246 = tpu.memref_slice %arg6[%add3A_239, %dma_start3A_245] : memref<819200x64xf32, #tpu.memory_space<hbm>> -> memref<1280x64xf32, #tpu.memory_space<hbm>>
        %dma_start3A_247 = arith.constant 0 : i32
        %dma_start3A_248 = arith.constant 0 : i32
        %dma_start3A_249 = tpu.memref_slice %arg10[%dma_start3A_247, %dma_start3A_248] : memref<1280x64xf32, #tpu.memory_space<vmem>> -> memref<1280x64xf32, #tpu.memory_space<vmem>>
        tpu.enqueue_dma source(%dma_start3A_249 : memref<1280x64xf32, #tpu.memory_space<vmem>>) target(%dma_start3A_246 : memref<1280x64xf32, #tpu.memory_space<hbm>>) target_semaphore(%run_scoped3A : memref<!tpu.dma_semaphore, #tpu.memory_space<semaphore_mem>>)
        %dma_wait3A_250 = arith.constant 0 : i32
        %dma_wait3A_251 = arith.constant 0 : i32
        %dma_wait3A_252 = tpu.memref_slice %arg10[%dma_wait3A_250, %dma_wait3A_251] : memref<1280x64xf32, #tpu.memory_space<vmem>> -> memref<1280x64xf32, #tpu.memory_space<vmem>>
        %dma_wait3A_253 = arith.constant 0 : i32
        %dma_wait3A_254 = tpu.memref_slice %arg6[%add3A_239, %dma_wait3A_253] : memref<819200x64xf32, #tpu.memory_space<hbm>> -> memref<1280x64xf32, #tpu.memory_space<hbm>>
        %dma_wait3A_255 = arith.constant 0 : i32
        %dma_wait3A_256 = tpu.memref_slice %arg6[%add3A_239, %dma_wait3A_255] : memref<819200x64xf32, #tpu.memory_space<hbm>> -> memref<1280x64xf32, #tpu.memory_space<hbm>>
        %dma_wait3A_257 = arith.constant 0 : i32
        %dma_wait3A_258 = arith.constant 0 : i32
        %dma_wait3A_259 = tpu.memref_slice %arg10[%dma_wait3A_257, %dma_wait3A_258] : memref<1280x64xf32, #tpu.memory_space<vmem>> -> memref<1280x64xf32, #tpu.memory_space<vmem>>
        tpu.wait_dma2 semaphore(%run_scoped3A : memref<!tpu.dma_semaphore, #tpu.memory_space<semaphore_mem>>) src(%dma_wait3A_259 : memref<1280x64xf32, #tpu.memory_space<vmem>>) dst(%dma_wait3A_256 : memref<1280x64xf32, #tpu.memory_space<hbm>>)
        tpu.yield
      }) : () -> ()
    }
    %scan3A_6 = arith.constant 20 : i32
    "tpu.region"() ({
      %run_scoped3A = tpu.sem_alloc : memref<!tpu.dma_semaphore, #tpu.memory_space<semaphore_mem>>
      %dma_start3A = arith.constant 0 : i32
      %dma_start3A_14 = arith.constant 0 : i32
      %dma_start3A_15 = tpu.memref_slice %arg5[%add3A, %dma_start3A, %dma_start3A_14] : memref<32x27x128xi32, #tpu.memory_space<hbm>> -> memref<1x27x128xi32, #tpu.memory_space<hbm>>
      %dma_start3A_16 = tpu.memref_squeeze %dma_start3A_15 : memref<1x27x128xi32, #tpu.memory_space<hbm>> -> memref<27x128xi32, #tpu.memory_space<hbm>>
      %dma_start3A_17 = arith.constant 0 : i32
      %dma_start3A_18 = arith.constant 0 : i32
      %dma_start3A_19 = tpu.memref_slice %arg5[%add3A, %dma_start3A_17, %dma_start3A_18] : memref<32x27x128xi32, #tpu.memory_space<hbm>> -> memref<1x27x128xi32, #tpu.memory_space<hbm>>
      %dma_start3A_20 = tpu.memref_squeeze %dma_start3A_19 : memref<1x27x128xi32, #tpu.memory_space<hbm>> -> memref<27x128xi32, #tpu.memory_space<hbm>>
      tpu.enqueue_dma source(%dma_start3A_20 : memref<27x128xi32, #tpu.memory_space<hbm>>) target(%arg9 : memref<27x128xi32, #tpu.memory_space<vmem>>) target_semaphore(%run_scoped3A : memref<!tpu.dma_semaphore, #tpu.memory_space<semaphore_mem>>)
      %dma_wait3A = arith.constant 0 : i32
      %dma_wait3A_21 = arith.constant 0 : i32
      %dma_wait3A_22 = tpu.memref_slice %arg5[%add3A, %dma_wait3A, %dma_wait3A_21] : memref<32x27x128xi32, #tpu.memory_space<hbm>> -> memref<1x27x128xi32, #tpu.memory_space<hbm>>
      %dma_wait3A_23 = tpu.memref_squeeze %dma_wait3A_22 : memref<1x27x128xi32, #tpu.memory_space<hbm>> -> memref<27x128xi32, #tpu.memory_space<hbm>>
      %dma_wait3A_24 = arith.constant 0 : i32
      %dma_wait3A_25 = arith.constant 0 : i32
      %dma_wait3A_26 = tpu.memref_slice %arg5[%add3A, %dma_wait3A_24, %dma_wait3A_25] : memref<32x27x128xi32, #tpu.memory_space<hbm>> -> memref<1x27x128xi32, #tpu.memory_space<hbm>>
      %dma_wait3A_27 = tpu.memref_squeeze %dma_wait3A_26 : memref<1x27x128xi32, #tpu.memory_space<hbm>> -> memref<27x128xi32, #tpu.memory_space<hbm>>
      tpu.wait_dma2 semaphore(%run_scoped3A : memref<!tpu.dma_semaphore, #tpu.memory_space<semaphore_mem>>) src(%dma_wait3A_27 : memref<27x128xi32, #tpu.memory_space<hbm>>) dst(%arg9 : memref<27x128xi32, #tpu.memory_space<vmem>>)
      tpu.yield
    }) : () -> ()
    %mul3A_7 = arith.constant 3456 : i32
    %mul3A_8 = arith.muli %add3A, %mul3A_7 : i32
    %scan3A_9 = arith.constant 0 : i32
    %scan3A_10 = arith.constant 3 : i32
    %scan3A_11 = arith.addi %scan3A_9, %scan3A_10 : i32
    %scan3A_12 = arith.constant 1 : i32
    scf.for %scan3A_14 = %scan3A_9 to %scan3A_11 step %scan3A_12  : i32 {
      %mul3A_15 = arith.constant 1 : i32
      %mul3A_16 = arith.muli %scan3A_14, %mul3A_15 : i32
      %add3A_17 = arith.constant 0 : i32
      %add3A_18 = arith.addi %add3A_17, %mul3A_16 : i32
      %mul3A_19 = arith.constant 9 : i32
      %mul3A_20 = arith.muli %add3A_18, %mul3A_19 : i32
      %add3A_21 = arith.constant 0 : i32
      %add3A_22 = arith.addi %mul3A_20, %add3A_21 : i32
      %dma_start3A = arith.constant 0 : i32
      %dma_start3A_23 = arith.constant 0 : i32
      %dma_start3A_24 = tpu.memref_slice %arg10[%dma_start3A, %dma_start3A_23] : memref<1280x64xf32, #tpu.memory_space<vmem>> -> memref<128x64xf32, #tpu.memory_space<vmem>>
      %dma_start3A_25 = arith.constant 0 : i32
      %dma_start3A_26 = tpu.memref_slice %arg9[%add3A_22, %dma_start3A_25] : memref<27x128xi32, #tpu.memory_space<vmem>> -> memref<1x128xi32, #tpu.memory_space<vmem>>
      %dma_start3A_27 = tpu.memref_squeeze %dma_start3A_26 : memref<1x128xi32, #tpu.memory_space<vmem>> -> memref<128xi32, #tpu.memory_space<vmem>>
      %dma_start3A_28 = arith.constant 0 : i32
      %dma_start3A_29 = arith.constant 0 : i32
      %dma_start3A_30 = tpu.memref_slice %arg4[%dma_start3A_28, %dma_start3A_29] : memref<100001x64xf32, #tpu.memory_space<hbm>> -> memref<100001x64xf32, #tpu.memory_space<hbm>>
      tpu.enqueue_indirect_dma source(%dma_start3A_30 : memref<100001x64xf32, #tpu.memory_space<hbm>>) target(%dma_start3A_24 : memref<128x64xf32, #tpu.memory_space<vmem>>) offsets(%dma_start3A_27 : memref<128xi32, #tpu.memory_space<vmem>>) semaphore(%arg11 : memref<!tpu.dma_semaphore, #tpu.memory_space<semaphore_mem>>)
      %mul3A_31 = arith.constant 9 : i32
      %mul3A_32 = arith.muli %add3A_18, %mul3A_31 : i32
      %add3A_33 = arith.constant 1 : i32
      %add3A_34 = arith.addi %mul3A_32, %add3A_33 : i32
      %dma_start3A_35 = arith.constant 128 : i32
      %dma_start3A_36 = arith.constant 0 : i32
      %dma_start3A_37 = tpu.memref_slice %arg10[%dma_start3A_35, %dma_start3A_36] : memref<1280x64xf32, #tpu.memory_space<vmem>> -> memref<128x64xf32, #tpu.memory_space<vmem>>
      %dma_start3A_38 = arith.constant 0 : i32
      %dma_start3A_39 = tpu.memref_slice %arg9[%add3A_34, %dma_start3A_38] : memref<27x128xi32, #tpu.memory_space<vmem>> -> memref<1x128xi32, #tpu.memory_space<vmem>>
      %dma_start3A_40 = tpu.memref_squeeze %dma_start3A_39 : memref<1x128xi32, #tpu.memory_space<vmem>> -> memref<128xi32, #tpu.memory_space<vmem>>
      %dma_start3A_41 = arith.constant 0 : i32
      %dma_start3A_42 = arith.constant 0 : i32
      %dma_start3A_43 = tpu.memref_slice %arg4[%dma_start3A_41, %dma_start3A_42] : memref<100001x64xf32, #tpu.memory_space<hbm>> -> memref<100001x64xf32, #tpu.memory_space<hbm>>
      tpu.enqueue_indirect_dma source(%dma_start3A_43 : memref<100001x64xf32, #tpu.memory_space<hbm>>) target(%dma_start3A_37 : memref<128x64xf32, #tpu.memory_space<vmem>>) offsets(%dma_start3A_40 : memref<128xi32, #tpu.memory_space<vmem>>) semaphore(%arg11 : memref<!tpu.dma_semaphore, #tpu.memory_space<semaphore_mem>>)
      %mul3A_44 = arith.constant 9 : i32
      %mul3A_45 = arith.muli %add3A_18, %mul3A_44 : i32
      %add3A_46 = arith.constant 2 : i32
      %add3A_47 = arith.addi %mul3A_45, %add3A_46 : i32
      %dma_start3A_48 = arith.constant 256 : i32
      %dma_start3A_49 = arith.constant 0 : i32
      %dma_start3A_50 = tpu.memref_slice %arg10[%dma_start3A_48, %dma_start3A_49] : memref<1280x64xf32, #tpu.memory_space<vmem>> -> memref<128x64xf32, #tpu.memory_space<vmem>>
      %dma_start3A_51 = arith.constant 0 : i32
      %dma_start3A_52 = tpu.memref_slice %arg9[%add3A_47, %dma_start3A_51] : memref<27x128xi32, #tpu.memory_space<vmem>> -> memref<1x128xi32, #tpu.memory_space<vmem>>
      %dma_start3A_53 = tpu.memref_squeeze %dma_start3A_52 : memref<1x128xi32, #tpu.memory_space<vmem>> -> memref<128xi32, #tpu.memory_space<vmem>>
      %dma_start3A_54 = arith.constant 0 : i32
      %dma_start3A_55 = arith.constant 0 : i32
      %dma_start3A_56 = tpu.memref_slice %arg4[%dma_start3A_54, %dma_start3A_55] : memref<100001x64xf32, #tpu.memory_space<hbm>> -> memref<100001x64xf32, #tpu.memory_space<hbm>>
      tpu.enqueue_indirect_dma source(%dma_start3A_56 : memref<100001x64xf32, #tpu.memory_space<hbm>>) target(%dma_start3A_50 : memref<128x64xf32, #tpu.memory_space<vmem>>) offsets(%dma_start3A_53 : memref<128xi32, #tpu.memory_space<vmem>>) semaphore(%arg11 : memref<!tpu.dma_semaphore, #tpu.memory_space<semaphore_mem>>)
      %mul3A_57 = arith.constant 9 : i32
      %mul3A_58 = arith.muli %add3A_18, %mul3A_57 : i32
      %add3A_59 = arith.constant 3 : i32
      %add3A_60 = arith.addi %mul3A_58, %add3A_59 : i32
      %dma_start3A_61 = arith.constant 384 : i32
      %dma_start3A_62 = arith.constant 0 : i32
      %dma_start3A_63 = tpu.memref_slice %arg10[%dma_start3A_61, %dma_start3A_62] : memref<1280x64xf32, #tpu.memory_space<vmem>> -> memref<128x64xf32, #tpu.memory_space<vmem>>
      %dma_start3A_64 = arith.constant 0 : i32
      %dma_start3A_65 = tpu.memref_slice %arg9[%add3A_60, %dma_start3A_64] : memref<27x128xi32, #tpu.memory_space<vmem>> -> memref<1x128xi32, #tpu.memory_space<vmem>>
      %dma_start3A_66 = tpu.memref_squeeze %dma_start3A_65 : memref<1x128xi32, #tpu.memory_space<vmem>> -> memref<128xi32, #tpu.memory_space<vmem>>
      %dma_start3A_67 = arith.constant 0 : i32
      %dma_start3A_68 = arith.constant 0 : i32
      %dma_start3A_69 = tpu.memref_slice %arg4[%dma_start3A_67, %dma_start3A_68] : memref<100001x64xf32, #tpu.memory_space<hbm>> -> memref<100001x64xf32, #tpu.memory_space<hbm>>
      tpu.enqueue_indirect_dma source(%dma_start3A_69 : memref<100001x64xf32, #tpu.memory_space<hbm>>) target(%dma_start3A_63 : memref<128x64xf32, #tpu.memory_space<vmem>>) offsets(%dma_start3A_66 : memref<128xi32, #tpu.memory_space<vmem>>) semaphore(%arg11 : memref<!tpu.dma_semaphore, #tpu.memory_space<semaphore_mem>>)
      %mul3A_70 = arith.constant 9 : i32
      %mul3A_71 = arith.muli %add3A_18, %mul3A_70 : i32
      %add3A_72 = arith.constant 4 : i32
      %add3A_73 = arith.addi %mul3A_71, %add3A_72 : i32
      %dma_start3A_74 = arith.constant 512 : i32
      %dma_start3A_75 = arith.constant 0 : i32
      %dma_start3A_76 = tpu.memref_slice %arg10[%dma_start3A_74, %dma_start3A_75] : memref<1280x64xf32, #tpu.memory_space<vmem>> -> memref<128x64xf32, #tpu.memory_space<vmem>>
      %dma_start3A_77 = arith.constant 0 : i32
      %dma_start3A_78 = tpu.memref_slice %arg9[%add3A_73, %dma_start3A_77] : memref<27x128xi32, #tpu.memory_space<vmem>> -> memref<1x128xi32, #tpu.memory_space<vmem>>
      %dma_start3A_79 = tpu.memref_squeeze %dma_start3A_78 : memref<1x128xi32, #tpu.memory_space<vmem>> -> memref<128xi32, #tpu.memory_space<vmem>>
      %dma_start3A_80 = arith.constant 0 : i32
      %dma_start3A_81 = arith.constant 0 : i32
      %dma_start3A_82 = tpu.memref_slice %arg4[%dma_start3A_80, %dma_start3A_81] : memref<100001x64xf32, #tpu.memory_space<hbm>> -> memref<100001x64xf32, #tpu.memory_space<hbm>>
      tpu.enqueue_indirect_dma source(%dma_start3A_82 : memref<100001x64xf32, #tpu.memory_space<hbm>>) target(%dma_start3A_76 : memref<128x64xf32, #tpu.memory_space<vmem>>) offsets(%dma_start3A_79 : memref<128xi32, #tpu.memory_space<vmem>>) semaphore(%arg11 : memref<!tpu.dma_semaphore, #tpu.memory_space<semaphore_mem>>)
      %mul3A_83 = arith.constant 9 : i32
      %mul3A_84 = arith.muli %add3A_18, %mul3A_83 : i32
      %add3A_85 = arith.constant 5 : i32
      %add3A_86 = arith.addi %mul3A_84, %add3A_85 : i32
      %dma_start3A_87 = arith.constant 640 : i32
      %dma_start3A_88 = arith.constant 0 : i32
      %dma_start3A_89 = tpu.memref_slice %arg10[%dma_start3A_87, %dma_start3A_88] : memref<1280x64xf32, #tpu.memory_space<vmem>> -> memref<128x64xf32, #tpu.memory_space<vmem>>
      %dma_start3A_90 = arith.constant 0 : i32
      %dma_start3A_91 = tpu.memref_slice %arg9[%add3A_86, %dma_start3A_90] : memref<27x128xi32, #tpu.memory_space<vmem>> -> memref<1x128xi32, #tpu.memory_space<vmem>>
      %dma_start3A_92 = tpu.memref_squeeze %dma_start3A_91 : memref<1x128xi32, #tpu.memory_space<vmem>> -> memref<128xi32, #tpu.memory_space<vmem>>
      %dma_start3A_93 = arith.constant 0 : i32
      %dma_start3A_94 = arith.constant 0 : i32
      %dma_start3A_95 = tpu.memref_slice %arg4[%dma_start3A_93, %dma_start3A_94] : memref<100001x64xf32, #tpu.memory_space<hbm>> -> memref<100001x64xf32, #tpu.memory_space<hbm>>
      tpu.enqueue_indirect_dma source(%dma_start3A_95 : memref<100001x64xf32, #tpu.memory_space<hbm>>) target(%dma_start3A_89 : memref<128x64xf32, #tpu.memory_space<vmem>>) offsets(%dma_start3A_92 : memref<128xi32, #tpu.memory_space<vmem>>) semaphore(%arg11 : memref<!tpu.dma_semaphore, #tpu.memory_space<semaphore_mem>>)
      %mul3A_96 = arith.constant 9 : i32
      %mul3A_97 = arith.muli %add3A_18, %mul3A_96 : i32
      %add3A_98 = arith.constant 6 : i32
      %add3A_99 = arith.addi %mul3A_97, %add3A_98 : i32
      %dma_start3A_100 = arith.constant 768 : i32
      %dma_start3A_101 = arith.constant 0 : i32
      %dma_start3A_102 = tpu.memref_slice %arg10[%dma_start3A_100, %dma_start3A_101] : memref<1280x64xf32, #tpu.memory_space<vmem>> -> memref<128x64xf32, #tpu.memory_space<vmem>>
      %dma_start3A_103 = arith.constant 0 : i32
      %dma_start3A_104 = tpu.memref_slice %arg9[%add3A_99, %dma_start3A_103] : memref<27x128xi32, #tpu.memory_space<vmem>> -> memref<1x128xi32, #tpu.memory_space<vmem>>
      %dma_start3A_105 = tpu.memref_squeeze %dma_start3A_104 : memref<1x128xi32, #tpu.memory_space<vmem>> -> memref<128xi32, #tpu.memory_space<vmem>>
      %dma_start3A_106 = arith.constant 0 : i32
      %dma_start3A_107 = arith.constant 0 : i32
      %dma_start3A_108 = tpu.memref_slice %arg4[%dma_start3A_106, %dma_start3A_107] : memref<100001x64xf32, #tpu.memory_space<hbm>> -> memref<100001x64xf32, #tpu.memory_space<hbm>>
      tpu.enqueue_indirect_dma source(%dma_start3A_108 : memref<100001x64xf32, #tpu.memory_space<hbm>>) target(%dma_start3A_102 : memref<128x64xf32, #tpu.memory_space<vmem>>) offsets(%dma_start3A_105 : memref<128xi32, #tpu.memory_space<vmem>>) semaphore(%arg11 : memref<!tpu.dma_semaphore, #tpu.memory_space<semaphore_mem>>)
      %mul3A_109 = arith.constant 9 : i32
      %mul3A_110 = arith.muli %add3A_18, %mul3A_109 : i32
      %add3A_111 = arith.constant 7 : i32
      %add3A_112 = arith.addi %mul3A_110, %add3A_111 : i32
      %dma_start3A_113 = arith.constant 896 : i32
      %dma_start3A_114 = arith.constant 0 : i32
      %dma_start3A_115 = tpu.memref_slice %arg10[%dma_start3A_113, %dma_start3A_114] : memref<1280x64xf32, #tpu.memory_space<vmem>> -> memref<128x64xf32, #tpu.memory_space<vmem>>
      %dma_start3A_116 = arith.constant 0 : i32
      %dma_start3A_117 = tpu.memref_slice %arg9[%add3A_112, %dma_start3A_116] : memref<27x128xi32, #tpu.memory_space<vmem>> -> memref<1x128xi32, #tpu.memory_space<vmem>>
      %dma_start3A_118 = tpu.memref_squeeze %dma_start3A_117 : memref<1x128xi32, #tpu.memory_space<vmem>> -> memref<128xi32, #tpu.memory_space<vmem>>
      %dma_start3A_119 = arith.constant 0 : i32
      %dma_start3A_120 = arith.constant 0 : i32
      %dma_start3A_121 = tpu.memref_slice %arg4[%dma_start3A_119, %dma_start3A_120] : memref<100001x64xf32, #tpu.memory_space<hbm>> -> memref<100001x64xf32, #tpu.memory_space<hbm>>
      tpu.enqueue_indirect_dma source(%dma_start3A_121 : memref<100001x64xf32, #tpu.memory_space<hbm>>) target(%dma_start3A_115 : memref<128x64xf32, #tpu.memory_space<vmem>>) offsets(%dma_start3A_118 : memref<128xi32, #tpu.memory_space<vmem>>) semaphore(%arg11 : memref<!tpu.dma_semaphore, #tpu.memory_space<semaphore_mem>>)
      %mul3A_122 = arith.constant 9 : i32
      %mul3A_123 = arith.muli %add3A_18, %mul3A_122 : i32
      %add3A_124 = arith.constant 8 : i32
      %add3A_125 = arith.addi %mul3A_123, %add3A_124 : i32
      %dma_start3A_126 = arith.constant 1024 : i32
      %dma_start3A_127 = arith.constant 0 : i32
      %dma_start3A_128 = tpu.memref_slice %arg10[%dma_start3A_126, %dma_start3A_127] : memref<1280x64xf32, #tpu.memory_space<vmem>> -> memref<128x64xf32, #tpu.memory_space<vmem>>
      %dma_start3A_129 = arith.constant 0 : i32
      %dma_start3A_130 = tpu.memref_slice %arg9[%add3A_125, %dma_start3A_129] : memref<27x128xi32, #tpu.memory_space<vmem>> -> memref<1x128xi32, #tpu.memory_space<vmem>>
      %dma_start3A_131 = tpu.memref_squeeze %dma_start3A_130 : memref<1x128xi32, #tpu.memory_space<vmem>> -> memref<128xi32, #tpu.memory_space<vmem>>
      %dma_start3A_132 = arith.constant 0 : i32
      %dma_start3A_133 = arith.constant 0 : i32
      %dma_start3A_134 = tpu.memref_slice %arg4[%dma_start3A_132, %dma_start3A_133] : memref<100001x64xf32, #tpu.memory_space<hbm>> -> memref<100001x64xf32, #tpu.memory_space<hbm>>
      tpu.enqueue_indirect_dma source(%dma_start3A_134 : memref<100001x64xf32, #tpu.memory_space<hbm>>) target(%dma_start3A_128 : memref<128x64xf32, #tpu.memory_space<vmem>>) offsets(%dma_start3A_131 : memref<128xi32, #tpu.memory_space<vmem>>) semaphore(%arg11 : memref<!tpu.dma_semaphore, #tpu.memory_space<semaphore_mem>>)
      %dma_wait3A = arith.constant 0 : i32
      %dma_wait3A_135 = arith.constant 0 : i32
      %dma_wait3A_136 = tpu.memref_slice %arg10[%dma_wait3A, %dma_wait3A_135] : memref<1280x64xf32, #tpu.memory_space<vmem>> -> memref<128x64xf32, #tpu.memory_space<vmem>>
      %dma_wait3A_137 = arith.constant 0 : i32
      %dma_wait3A_138 = tpu.memref_slice %arg9[%add3A_22, %dma_wait3A_137] : memref<27x128xi32, #tpu.memory_space<vmem>> -> memref<1x128xi32, #tpu.memory_space<vmem>>
      %dma_wait3A_139 = tpu.memref_squeeze %dma_wait3A_138 : memref<1x128xi32, #tpu.memory_space<vmem>> -> memref<128xi32, #tpu.memory_space<vmem>>
      %dma_wait3A_140 = arith.constant 0 : i32
      %dma_wait3A_141 = arith.constant 0 : i32
      %dma_wait3A_142 = tpu.memref_slice %arg4[%dma_wait3A_140, %dma_wait3A_141] : memref<100001x64xf32, #tpu.memory_space<hbm>> -> memref<100001x64xf32, #tpu.memory_space<hbm>>
      tpu.wait_indirect_dma semaphore(%arg11 : memref<!tpu.dma_semaphore, #tpu.memory_space<semaphore_mem>>) src(%dma_wait3A_142 : memref<100001x64xf32, #tpu.memory_space<hbm>>) dst(%dma_wait3A_136 : memref<128x64xf32, #tpu.memory_space<vmem>>)
      %dma_wait3A_143 = arith.constant 128 : i32
      %dma_wait3A_144 = arith.constant 0 : i32
      %dma_wait3A_145 = tpu.memref_slice %arg10[%dma_wait3A_143, %dma_wait3A_144] : memref<1280x64xf32, #tpu.memory_space<vmem>> -> memref<128x64xf32, #tpu.memory_space<vmem>>
      %dma_wait3A_146 = arith.constant 0 : i32
      %dma_wait3A_147 = tpu.memref_slice %arg9[%add3A_34, %dma_wait3A_146] : memref<27x128xi32, #tpu.memory_space<vmem>> -> memref<1x128xi32, #tpu.memory_space<vmem>>
      %dma_wait3A_148 = tpu.memref_squeeze %dma_wait3A_147 : memref<1x128xi32, #tpu.memory_space<vmem>> -> memref<128xi32, #tpu.memory_space<vmem>>
      %dma_wait3A_149 = arith.constant 0 : i32
      %dma_wait3A_150 = arith.constant 0 : i32
      %dma_wait3A_151 = tpu.memref_slice %arg4[%dma_wait3A_149, %dma_wait3A_150] : memref<100001x64xf32, #tpu.memory_space<hbm>> -> memref<100001x64xf32, #tpu.memory_space<hbm>>
      tpu.wait_indirect_dma semaphore(%arg11 : memref<!tpu.dma_semaphore, #tpu.memory_space<semaphore_mem>>) src(%dma_wait3A_151 : memref<100001x64xf32, #tpu.memory_space<hbm>>) dst(%dma_wait3A_145 : memref<128x64xf32, #tpu.memory_space<vmem>>)
      %dma_wait3A_152 = arith.constant 256 : i32
      %dma_wait3A_153 = arith.constant 0 : i32
      %dma_wait3A_154 = tpu.memref_slice %arg10[%dma_wait3A_152, %dma_wait3A_153] : memref<1280x64xf32, #tpu.memory_space<vmem>> -> memref<128x64xf32, #tpu.memory_space<vmem>>
      %dma_wait3A_155 = arith.constant 0 : i32
      %dma_wait3A_156 = tpu.memref_slice %arg9[%add3A_47, %dma_wait3A_155] : memref<27x128xi32, #tpu.memory_space<vmem>> -> memref<1x128xi32, #tpu.memory_space<vmem>>
      %dma_wait3A_157 = tpu.memref_squeeze %dma_wait3A_156 : memref<1x128xi32, #tpu.memory_space<vmem>> -> memref<128xi32, #tpu.memory_space<vmem>>
      %dma_wait3A_158 = arith.constant 0 : i32
      %dma_wait3A_159 = arith.constant 0 : i32
      %dma_wait3A_160 = tpu.memref_slice %arg4[%dma_wait3A_158, %dma_wait3A_159] : memref<100001x64xf32, #tpu.memory_space<hbm>> -> memref<100001x64xf32, #tpu.memory_space<hbm>>
      tpu.wait_indirect_dma semaphore(%arg11 : memref<!tpu.dma_semaphore, #tpu.memory_space<semaphore_mem>>) src(%dma_wait3A_160 : memref<100001x64xf32, #tpu.memory_space<hbm>>) dst(%dma_wait3A_154 : memref<128x64xf32, #tpu.memory_space<vmem>>)
      %dma_wait3A_161 = arith.constant 384 : i32
      %dma_wait3A_162 = arith.constant 0 : i32
      %dma_wait3A_163 = tpu.memref_slice %arg10[%dma_wait3A_161, %dma_wait3A_162] : memref<1280x64xf32, #tpu.memory_space<vmem>> -> memref<128x64xf32, #tpu.memory_space<vmem>>
      %dma_wait3A_164 = arith.constant 0 : i32
      %dma_wait3A_165 = tpu.memref_slice %arg9[%add3A_60, %dma_wait3A_164] : memref<27x128xi32, #tpu.memory_space<vmem>> -> memref<1x128xi32, #tpu.memory_space<vmem>>
      %dma_wait3A_166 = tpu.memref_squeeze %dma_wait3A_165 : memref<1x128xi32, #tpu.memory_space<vmem>> -> memref<128xi32, #tpu.memory_space<vmem>>
      %dma_wait3A_167 = arith.constant 0 : i32
      %dma_wait3A_168 = arith.constant 0 : i32
      %dma_wait3A_169 = tpu.memref_slice %arg4[%dma_wait3A_167, %dma_wait3A_168] : memref<100001x64xf32, #tpu.memory_space<hbm>> -> memref<100001x64xf32, #tpu.memory_space<hbm>>
      tpu.wait_indirect_dma semaphore(%arg11 : memref<!tpu.dma_semaphore, #tpu.memory_space<semaphore_mem>>) src(%dma_wait3A_169 : memref<100001x64xf32, #tpu.memory_space<hbm>>) dst(%dma_wait3A_163 : memref<128x64xf32, #tpu.memory_space<vmem>>)
      %dma_wait3A_170 = arith.constant 512 : i32
      %dma_wait3A_171 = arith.constant 0 : i32
      %dma_wait3A_172 = tpu.memref_slice %arg10[%dma_wait3A_170, %dma_wait3A_171] : memref<1280x64xf32, #tpu.memory_space<vmem>> -> memref<128x64xf32, #tpu.memory_space<vmem>>
      %dma_wait3A_173 = arith.constant 0 : i32
      %dma_wait3A_174 = tpu.memref_slice %arg9[%add3A_73, %dma_wait3A_173] : memref<27x128xi32, #tpu.memory_space<vmem>> -> memref<1x128xi32, #tpu.memory_space<vmem>>
      %dma_wait3A_175 = tpu.memref_squeeze %dma_wait3A_174 : memref<1x128xi32, #tpu.memory_space<vmem>> -> memref<128xi32, #tpu.memory_space<vmem>>
      %dma_wait3A_176 = arith.constant 0 : i32
      %dma_wait3A_177 = arith.constant 0 : i32
      %dma_wait3A_178 = tpu.memref_slice %arg4[%dma_wait3A_176, %dma_wait3A_177] : memref<100001x64xf32, #tpu.memory_space<hbm>> -> memref<100001x64xf32, #tpu.memory_space<hbm>>
      tpu.wait_indirect_dma semaphore(%arg11 : memref<!tpu.dma_semaphore, #tpu.memory_space<semaphore_mem>>) src(%dma_wait3A_178 : memref<100001x64xf32, #tpu.memory_space<hbm>>) dst(%dma_wait3A_172 : memref<128x64xf32, #tpu.memory_space<vmem>>)
      %dma_wait3A_179 = arith.constant 640 : i32
      %dma_wait3A_180 = arith.constant 0 : i32
      %dma_wait3A_181 = tpu.memref_slice %arg10[%dma_wait3A_179, %dma_wait3A_180] : memref<1280x64xf32, #tpu.memory_space<vmem>> -> memref<128x64xf32, #tpu.memory_space<vmem>>
      %dma_wait3A_182 = arith.constant 0 : i32
      %dma_wait3A_183 = tpu.memref_slice %arg9[%add3A_86, %dma_wait3A_182] : memref<27x128xi32, #tpu.memory_space<vmem>> -> memref<1x128xi32, #tpu.memory_space<vmem>>
      %dma_wait3A_184 = tpu.memref_squeeze %dma_wait3A_183 : memref<1x128xi32, #tpu.memory_space<vmem>> -> memref<128xi32, #tpu.memory_space<vmem>>
      %dma_wait3A_185 = arith.constant 0 : i32
      %dma_wait3A_186 = arith.constant 0 : i32
      %dma_wait3A_187 = tpu.memref_slice %arg4[%dma_wait3A_185, %dma_wait3A_186] : memref<100001x64xf32, #tpu.memory_space<hbm>> -> memref<100001x64xf32, #tpu.memory_space<hbm>>
      tpu.wait_indirect_dma semaphore(%arg11 : memref<!tpu.dma_semaphore, #tpu.memory_space<semaphore_mem>>) src(%dma_wait3A_187 : memref<100001x64xf32, #tpu.memory_space<hbm>>) dst(%dma_wait3A_181 : memref<128x64xf32, #tpu.memory_space<vmem>>)
      %dma_wait3A_188 = arith.constant 768 : i32
      %dma_wait3A_189 = arith.constant 0 : i32
      %dma_wait3A_190 = tpu.memref_slice %arg10[%dma_wait3A_188, %dma_wait3A_189] : memref<1280x64xf32, #tpu.memory_space<vmem>> -> memref<128x64xf32, #tpu.memory_space<vmem>>
      %dma_wait3A_191 = arith.constant 0 : i32
      %dma_wait3A_192 = tpu.memref_slice %arg9[%add3A_99, %dma_wait3A_191] : memref<27x128xi32, #tpu.memory_space<vmem>> -> memref<1x128xi32, #tpu.memory_space<vmem>>
      %dma_wait3A_193 = tpu.memref_squeeze %dma_wait3A_192 : memref<1x128xi32, #tpu.memory_space<vmem>> -> memref<128xi32, #tpu.memory_space<vmem>>
      %dma_wait3A_194 = arith.constant 0 : i32
      %dma_wait3A_195 = arith.constant 0 : i32
      %dma_wait3A_196 = tpu.memref_slice %arg4[%dma_wait3A_194, %dma_wait3A_195] : memref<100001x64xf32, #tpu.memory_space<hbm>> -> memref<100001x64xf32, #tpu.memory_space<hbm>>
      tpu.wait_indirect_dma semaphore(%arg11 : memref<!tpu.dma_semaphore, #tpu.memory_space<semaphore_mem>>) src(%dma_wait3A_196 : memref<100001x64xf32, #tpu.memory_space<hbm>>) dst(%dma_wait3A_190 : memref<128x64xf32, #tpu.memory_space<vmem>>)
      %dma_wait3A_197 = arith.constant 896 : i32
      %dma_wait3A_198 = arith.constant 0 : i32
      %dma_wait3A_199 = tpu.memref_slice %arg10[%dma_wait3A_197, %dma_wait3A_198] : memref<1280x64xf32, #tpu.memory_space<vmem>> -> memref<128x64xf32, #tpu.memory_space<vmem>>
      %dma_wait3A_200 = arith.constant 0 : i32
      %dma_wait3A_201 = tpu.memref_slice %arg9[%add3A_112, %dma_wait3A_200] : memref<27x128xi32, #tpu.memory_space<vmem>> -> memref<1x128xi32, #tpu.memory_space<vmem>>
      %dma_wait3A_202 = tpu.memref_squeeze %dma_wait3A_201 : memref<1x128xi32, #tpu.memory_space<vmem>> -> memref<128xi32, #tpu.memory_space<vmem>>
      %dma_wait3A_203 = arith.constant 0 : i32
      %dma_wait3A_204 = arith.constant 0 : i32
      %dma_wait3A_205 = tpu.memref_slice %arg4[%dma_wait3A_203, %dma_wait3A_204] : memref<100001x64xf32, #tpu.memory_space<hbm>> -> memref<100001x64xf32, #tpu.memory_space<hbm>>
      tpu.wait_indirect_dma semaphore(%arg11 : memref<!tpu.dma_semaphore, #tpu.memory_space<semaphore_mem>>) src(%dma_wait3A_205 : memref<100001x64xf32, #tpu.memory_space<hbm>>) dst(%dma_wait3A_199 : memref<128x64xf32, #tpu.memory_space<vmem>>)
      %dma_wait3A_206 = arith.constant 1024 : i32
      %dma_wait3A_207 = arith.constant 0 : i32
      %dma_wait3A_208 = tpu.memref_slice %arg10[%dma_wait3A_206, %dma_wait3A_207] : memref<1280x64xf32, #tpu.memory_space<vmem>> -> memref<128x64xf32, #tpu.memory_space<vmem>>
      %dma_wait3A_209 = arith.constant 0 : i32
      %dma_wait3A_210 = tpu.memref_slice %arg9[%add3A_125, %dma_wait3A_209] : memref<27x128xi32, #tpu.memory_space<vmem>> -> memref<1x128xi32, #tpu.memory_space<vmem>>
      %dma_wait3A_211 = tpu.memref_squeeze %dma_wait3A_210 : memref<1x128xi32, #tpu.memory_space<vmem>> -> memref<128xi32, #tpu.memory_space<vmem>>
      %dma_wait3A_212 = arith.constant 0 : i32
      %dma_wait3A_213 = arith.constant 0 : i32
      %dma_wait3A_214 = tpu.memref_slice %arg4[%dma_wait3A_212, %dma_wait3A_213] : memref<100001x64xf32, #tpu.memory_space<hbm>> -> memref<100001x64xf32, #tpu.memory_space<hbm>>
      tpu.wait_indirect_dma semaphore(%arg11 : memref<!tpu.dma_semaphore, #tpu.memory_space<semaphore_mem>>) src(%dma_wait3A_214 : memref<100001x64xf32, #tpu.memory_space<hbm>>) dst(%dma_wait3A_208 : memref<128x64xf32, #tpu.memory_space<vmem>>)
      %mul3A_215 = arith.constant 1152 : i32
      %mul3A_216 = arith.muli %add3A_18, %mul3A_215 : i32
      %add3A_217 = arith.addi %mul3A_8, %mul3A_216 : i32
      "tpu.region"() ({
        %run_scoped3A = tpu.sem_alloc : memref<!tpu.dma_semaphore, #tpu.memory_space<semaphore_mem>>
        %dma_start3A_218 = arith.constant 0 : i32
        %dma_start3A_219 = arith.constant 0 : i32
        %dma_start3A_220 = tpu.memref_slice %arg10[%dma_start3A_218, %dma_start3A_219] : memref<1280x64xf32, #tpu.memory_space<vmem>> -> memref<1152x64xf32, #tpu.memory_space<vmem>>
        %dma_start3A_221 = arith.constant 0 : i32
        %dma_start3A_222 = tpu.memref_slice %arg7[%add3A_217, %dma_start3A_221] : memref<110592x64xf32, #tpu.memory_space<hbm>> -> memref<1152x64xf32, #tpu.memory_space<hbm>>
        %dma_start3A_223 = arith.constant 0 : i32
        %dma_start3A_224 = tpu.memref_slice %arg7[%add3A_217, %dma_start3A_223] : memref<110592x64xf32, #tpu.memory_space<hbm>> -> memref<1152x64xf32, #tpu.memory_space<hbm>>
        %dma_start3A_225 = arith.constant 0 : i32
        %dma_start3A_226 = arith.constant 0 : i32
        %dma_start3A_227 = tpu.memref_slice %arg10[%dma_start3A_225, %dma_start3A_226] : memref<1280x64xf32, #tpu.memory_space<vmem>> -> memref<1152x64xf32, #tpu.memory_space<vmem>>
        tpu.enqueue_dma source(%dma_start3A_227 : memref<1152x64xf32, #tpu.memory_space<vmem>>) target(%dma_start3A_224 : memref<1152x64xf32, #tpu.memory_space<hbm>>) target_semaphore(%run_scoped3A : memref<!tpu.dma_semaphore, #tpu.memory_space<semaphore_mem>>)
        %dma_wait3A_228 = arith.constant 0 : i32
        %dma_wait3A_229 = arith.constant 0 : i32
        %dma_wait3A_230 = tpu.memref_slice %arg10[%dma_wait3A_228, %dma_wait3A_229] : memref<1280x64xf32, #tpu.memory_space<vmem>> -> memref<1152x64xf32, #tpu.memory_space<vmem>>
        %dma_wait3A_231 = arith.constant 0 : i32
        %dma_wait3A_232 = tpu.memref_slice %arg7[%add3A_217, %dma_wait3A_231] : memref<110592x64xf32, #tpu.memory_space<hbm>> -> memref<1152x64xf32, #tpu.memory_space<hbm>>
        %dma_wait3A_233 = arith.constant 0 : i32
        %dma_wait3A_234 = tpu.memref_slice %arg7[%add3A_217, %dma_wait3A_233] : memref<110592x64xf32, #tpu.memory_space<hbm>> -> memref<1152x64xf32, #tpu.memory_space<hbm>>
        %dma_wait3A_235 = arith.constant 0 : i32
        %dma_wait3A_236 = arith.constant 0 : i32
        %dma_wait3A_237 = tpu.memref_slice %arg10[%dma_wait3A_235, %dma_wait3A_236] : memref<1280x64xf32, #tpu.memory_space<vmem>> -> memref<1152x64xf32, #tpu.memory_space<vmem>>
        tpu.wait_dma2 semaphore(%run_scoped3A : memref<!tpu.dma_semaphore, #tpu.memory_space<semaphore_mem>>) src(%dma_wait3A_237 : memref<1152x64xf32, #tpu.memory_space<vmem>>) dst(%dma_wait3A_234 : memref<1152x64xf32, #tpu.memory_space<hbm>>)
        tpu.yield
      }) : () -> ()
    }
    %scan3A_13 = arith.constant 3 : i32
    return
  }
}

module attributes {stable_mosaic.version = 14 : i64} {
  func.func @_tc_body(%arg0: i32, %arg1: memref<25600x64xf32, #tpu.memory_space<vmem>>, %arg2: memref<128x1664xf32, #tpu.memory_space<vmem>>, %arg3: memref<128x64xf32, #tpu.memory_space<vmem>>, %arg4: memref<128x13xf32, #tpu.memory_space<vmem>>, %arg5: memref<64x128xf32, #tpu.memory_space<vmem>>, %arg6: memref<64x128xf32, #tpu.memory_space<vmem>>, %arg7: memref<64x128xf32, #tpu.memory_space<vmem>>, %arg8: memref<128x64xf32, #tpu.memory_space<vmem>>, %arg9: memref<1x64xf32, #tpu.memory_space<vmem>>, %arg10: memref<1664x64xf32, #tpu.memory_space<vmem>>, %arg11: memref<1x64xf32, #tpu.memory_space<vmem>>, %arg12: memref<13x64xf32, #tpu.memory_space<vmem>>, %arg13: memref<1x64xf32, #tpu.memory_space<vmem>>, %arg14: memref<256x512xf32, #tpu.memory_space<vmem>>, %arg15: memref<1x512xf32, #tpu.memory_space<vmem>>, %arg16: memref<512x512xf32, #tpu.memory_space<vmem>>, %arg17: memref<1x512xf32, #tpu.memory_space<vmem>>, %arg18: memref<512x512xf32, #tpu.memory_space<vmem>>, %arg19: memref<1x512xf32, #tpu.memory_space<vmem>>, %arg20: memref<512x512xf32, #tpu.memory_space<vmem>>, %arg21: memref<1x512xf32, #tpu.memory_space<vmem>>, %arg22: memref<1x512xf32, #tpu.memory_space<vmem>>, %arg23: memref<1x512xf32, #tpu.memory_space<vmem>>, %arg24: memref<512x512xf32, #tpu.memory_space<vmem>>, %arg25: memref<1x512xf32, #tpu.memory_space<vmem>>, %arg26: memref<512x512xf32, #tpu.memory_space<vmem>>, %arg27: memref<1x512xf32, #tpu.memory_space<vmem>>, %arg28: memref<512x512xf32, #tpu.memory_space<vmem>>, %arg29: memref<1x512xf32, #tpu.memory_space<vmem>>, %arg30: memref<1x512xf32, #tpu.memory_space<vmem>>, %arg31: memref<1x512xf32, #tpu.memory_space<vmem>>, %arg32: memref<512x1xf32, #tpu.memory_space<vmem>>, %arg33: memref<1x1xf32, #tpu.memory_space<vmem>>, %arg34: memref<128x1xf32, #tpu.memory_space<vmem>>) attributes {dimension_semantics = [#tpu.dimension_semantics<arbitrary>], iteration_bounds = array<i64: 32>, scalar_prefetch = 0 : i64, scratch_operands = 0 : i64, tpu.core_type = #tpu.core_type<tc>, window_params = [{transform_indices = @transform_0, window_bounds = array<i64: 25600, 64>}, {transform_indices = @transform_1, window_bounds = array<i64: 128, 1664>}, {transform_indices = @transform_2, window_bounds = array<i64: 128, 64>}, {transform_indices = @transform_3, window_bounds = array<i64: 128, 13>}, {pipeline_mode = #tpu.pipeline_mode<synchronous>, transform_indices = @transform_4, window_bounds = array<i64: 64, 128>}, {pipeline_mode = #tpu.pipeline_mode<synchronous>, transform_indices = @transform_5, window_bounds = array<i64: 64, 128>}, {pipeline_mode = #tpu.pipeline_mode<synchronous>, transform_indices = @transform_6, window_bounds = array<i64: 64, 128>}, {pipeline_mode = #tpu.pipeline_mode<synchronous>, transform_indices = @transform_7, window_bounds = array<i64: 128, 64>}, {pipeline_mode = #tpu.pipeline_mode<synchronous>, transform_indices = @transform_8, window_bounds = array<i64: 1, 64>}, {pipeline_mode = #tpu.pipeline_mode<synchronous>, transform_indices = @transform_9, window_bounds = array<i64: 1664, 64>}, {pipeline_mode = #tpu.pipeline_mode<synchronous>, transform_indices = @transform_10, window_bounds = array<i64: 1, 64>}, {pipeline_mode = #tpu.pipeline_mode<synchronous>, transform_indices = @transform_11, window_bounds = array<i64: 13, 64>}, {pipeline_mode = #tpu.pipeline_mode<synchronous>, transform_indices = @transform_12, window_bounds = array<i64: 1, 64>}, {pipeline_mode = #tpu.pipeline_mode<synchronous>, transform_indices = @transform_13, window_bounds = array<i64: 256, 512>}, {pipeline_mode = #tpu.pipeline_mode<synchronous>, transform_indices = @transform_14, window_bounds = array<i64: 1, 512>}, {pipeline_mode = #tpu.pipeline_mode<synchronous>, transform_indices = @transform_15, window_bounds = array<i64: 512, 512>}, {pipeline_mode = #tpu.pipeline_mode<synchronous>, transform_indices = @transform_16, window_bounds = array<i64: 1, 512>}, {pipeline_mode = #tpu.pipeline_mode<synchronous>, transform_indices = @transform_17, window_bounds = array<i64: 512, 512>}, {pipeline_mode = #tpu.pipeline_mode<synchronous>, transform_indices = @transform_18, window_bounds = array<i64: 1, 512>}, {pipeline_mode = #tpu.pipeline_mode<synchronous>, transform_indices = @transform_19, window_bounds = array<i64: 512, 512>}, {pipeline_mode = #tpu.pipeline_mode<synchronous>, transform_indices = @transform_20, window_bounds = array<i64: 1, 512>}, {pipeline_mode = #tpu.pipeline_mode<synchronous>, transform_indices = @transform_21, window_bounds = array<i64: 1, 512>}, {pipeline_mode = #tpu.pipeline_mode<synchronous>, transform_indices = @transform_22, window_bounds = array<i64: 1, 512>}, {pipeline_mode = #tpu.pipeline_mode<synchronous>, transform_indices = @transform_23, window_bounds = array<i64: 512, 512>}, {pipeline_mode = #tpu.pipeline_mode<synchronous>, transform_indices = @transform_24, window_bounds = array<i64: 1, 512>}, {pipeline_mode = #tpu.pipeline_mode<synchronous>, transform_indices = @transform_25, window_bounds = array<i64: 512, 512>}, {pipeline_mode = #tpu.pipeline_mode<synchronous>, transform_indices = @transform_26, window_bounds = array<i64: 1, 512>}, {pipeline_mode = #tpu.pipeline_mode<synchronous>, transform_indices = @transform_27, window_bounds = array<i64: 512, 512>}, {pipeline_mode = #tpu.pipeline_mode<synchronous>, transform_indices = @transform_28, window_bounds = array<i64: 1, 512>}, {pipeline_mode = #tpu.pipeline_mode<synchronous>, transform_indices = @transform_29, window_bounds = array<i64: 1, 512>}, {pipeline_mode = #tpu.pipeline_mode<synchronous>, transform_indices = @transform_30, window_bounds = array<i64: 1, 512>}, {pipeline_mode = #tpu.pipeline_mode<synchronous>, transform_indices = @transform_31, window_bounds = array<i64: 512, 1>}, {pipeline_mode = #tpu.pipeline_mode<synchronous>, transform_indices = @transform_32, window_bounds = array<i64: 1, 1>}, {transform_indices = @transform_33, window_bounds = array<i64: 128, 1>}]} {
    %get3A = arith.constant 0 : index
    %get3A_0 = arith.constant 0 : index
    %get3A_1 = vector.load %arg3[%get3A, %get3A_0] : memref<128x64xf32, #tpu.memory_space<vmem>>, vector<128x64xf32>
    %get3A_2 = arith.constant 0 : index
    %get3A_3 = arith.constant 0 : index
    %get3A_4 = vector.load %arg5[%get3A_2, %get3A_3] : memref<64x128xf32, #tpu.memory_space<vmem>>, vector<64x128xf32>
    %dot_general3A = arith.constant dense<0.000000e+00> : vector<128x128xf32>
    %dot_general3A_5 = tpu.matmul %get3A_1, %get3A_4, %dot_general3A {dimension_numbers = #tpu.dot_dimension_numbers<[1], [0], [0], [1], [0, 0, 1, 1], [], []>, transpose_lhs_hint = false} : vector<128x64xf32>, vector<64x128xf32>, vector<128x128xf32> -> vector<128x128xf32>
    %get3A_6 = arith.constant 0 : index
    %get3A_7 = arith.constant 0 : index
    %get3A_8 = vector.load %arg6[%get3A_6, %get3A_7] : memref<64x128xf32, #tpu.memory_space<vmem>>, vector<64x128xf32>
    %dot_general3A_9 = arith.constant dense<0.000000e+00> : vector<128x64xf32>
    %dot_general3A_10 = tpu.matmul %dot_general3A_5, %get3A_8, %dot_general3A_9 {dimension_numbers = #tpu.dot_dimension_numbers<[1], [1], [0], [0], [0, 0, 1, 0], [], []>, transpose_lhs_hint = false} : vector<128x128xf32>, vector<64x128xf32>, vector<128x64xf32> -> vector<128x64xf32>
    %mul3A = arith.constant 0.0883883461 : f32
    %mul3A_11 = vector.broadcast %mul3A : f32 to vector<128x64xf32>
    %mul3A_12 = arith.mulf %dot_general3A_10, %mul3A_11 : vector<128x64xf32>
    %get3A_13 = arith.constant 0 : index
    %get3A_14 = arith.constant 0 : index
    %get3A_15 = vector.load %arg1[%get3A_13, %get3A_14] : memref<25600x64xf32, #tpu.memory_space<vmem>>, vector<25600x64xf32>
    %reshape3A = vector.shape_cast %get3A_15 : vector<25600x64xf32> to vector<128x200x64xf32>
    %slice3A = vector.extract_strided_slice %reshape3A {offsets = [0, 0, 0], sizes = [128, 40, 64], strides = [1, 1, 1]} : vector<128x200x64xf32> to vector<128x40x64xf32>
    %broadcast_in_dim3A = vector.shape_cast %mul3A_12 : vector<128x64xf32> to vector<128x1x64xf32>
    %mul3A_16 = vector.broadcast %broadcast_in_dim3A : vector<128x1x64xf32> to vector<128x40x64xf32>
    %mul3A_17 = arith.mulf %slice3A, %mul3A_16 : vector<128x40x64xf32>
    %reduce_sum3A = arith.constant dense<0.000000e+00> : vector<128x40xf32>
    %reduce_sum3A_18 = vector.multi_reduction <add>, %mul3A_17, %reduce_sum3A [2] : vector<128x40x64xf32> to vector<128x40xf32>
    %slice3A_19 = vector.extract_strided_slice %reshape3A {offsets = [0, 40, 0], sizes = [128, 40, 64], strides = [1, 1, 1]} : vector<128x200x64xf32> to vector<128x40x64xf32>
    %broadcast_in_dim3A_20 = vector.shape_cast %mul3A_12 : vector<128x64xf32> to vector<128x1x64xf32>
    %mul3A_21 = vector.broadcast %broadcast_in_dim3A_20 : vector<128x1x64xf32> to vector<128x40x64xf32>
    %mul3A_22 = arith.mulf %slice3A_19, %mul3A_21 : vector<128x40x64xf32>
    %reduce_sum3A_23 = arith.constant dense<0.000000e+00> : vector<128x40xf32>
    %reduce_sum3A_24 = vector.multi_reduction <add>, %mul3A_22, %reduce_sum3A_23 [2] : vector<128x40x64xf32> to vector<128x40xf32>
    %slice3A_25 = vector.extract_strided_slice %reshape3A {offsets = [0, 80, 0], sizes = [128, 40, 64], strides = [1, 1, 1]} : vector<128x200x64xf32> to vector<128x40x64xf32>
    %broadcast_in_dim3A_26 = vector.shape_cast %mul3A_12 : vector<128x64xf32> to vector<128x1x64xf32>
    %mul3A_27 = vector.broadcast %broadcast_in_dim3A_26 : vector<128x1x64xf32> to vector<128x40x64xf32>
    %mul3A_28 = arith.mulf %slice3A_25, %mul3A_27 : vector<128x40x64xf32>
    %reduce_sum3A_29 = arith.constant dense<0.000000e+00> : vector<128x40xf32>
    %reduce_sum3A_30 = vector.multi_reduction <add>, %mul3A_28, %reduce_sum3A_29 [2] : vector<128x40x64xf32> to vector<128x40xf32>
    %slice3A_31 = vector.extract_strided_slice %reshape3A {offsets = [0, 120, 0], sizes = [128, 40, 64], strides = [1, 1, 1]} : vector<128x200x64xf32> to vector<128x40x64xf32>
    %broadcast_in_dim3A_32 = vector.shape_cast %mul3A_12 : vector<128x64xf32> to vector<128x1x64xf32>
    %mul3A_33 = vector.broadcast %broadcast_in_dim3A_32 : vector<128x1x64xf32> to vector<128x40x64xf32>
    %mul3A_34 = arith.mulf %slice3A_31, %mul3A_33 : vector<128x40x64xf32>
    %reduce_sum3A_35 = arith.constant dense<0.000000e+00> : vector<128x40xf32>
    %reduce_sum3A_36 = vector.multi_reduction <add>, %mul3A_34, %reduce_sum3A_35 [2] : vector<128x40x64xf32> to vector<128x40xf32>
    %slice3A_37 = vector.extract_strided_slice %reshape3A {offsets = [0, 160, 0], sizes = [128, 40, 64], strides = [1, 1, 1]} : vector<128x200x64xf32> to vector<128x40x64xf32>
    %broadcast_in_dim3A_38 = vector.shape_cast %mul3A_12 : vector<128x64xf32> to vector<128x1x64xf32>
    %mul3A_39 = vector.broadcast %broadcast_in_dim3A_38 : vector<128x1x64xf32> to vector<128x40x64xf32>
    %mul3A_40 = arith.mulf %slice3A_37, %mul3A_39 : vector<128x40x64xf32>
    %reduce_sum3A_41 = arith.constant dense<0.000000e+00> : vector<128x40xf32>
    %reduce_sum3A_42 = vector.multi_reduction <add>, %mul3A_40, %reduce_sum3A_41 [2] : vector<128x40x64xf32> to vector<128x40xf32>
    %concatenate3A = tpu.concatenate %reduce_sum3A_18, %reduce_sum3A_24, %reduce_sum3A_30, %reduce_sum3A_36, %reduce_sum3A_42 in 1 : vector<128x40xf32>, vector<128x40xf32>, vector<128x40xf32>, vector<128x40xf32>, vector<128x40xf32> -> vector<128x200xf32>
    %bitcast_convert_type3A = tpu.bitcast %concatenate3A : vector<128x200xf32> -> vector<128x200xi32>
    %ge3A = arith.constant 0 : i32
    %ge3A_43 = vector.broadcast %ge3A : i32 to vector<128x200xi32>
    %ge3A_44 = arith.cmpi sge, %bitcast_convert_type3A, %ge3A_43 : vector<128x200xi32>
    %xor3A = arith.constant 2147483647 : i32
    %xor3A_45 = vector.broadcast %xor3A : i32 to vector<128x200xi32>
    %xor3A_46 = arith.xori %bitcast_convert_type3A, %xor3A_45 : vector<128x200xi32>
    %select_n3A = arith.select %ge3A_44, %bitcast_convert_type3A, %xor3A_46 : vector<128x200xi1>, vector<128x200xi32>
    %broadcast_in_dim3A_47 = arith.constant -2147483648 : i32
    %broadcast_in_dim3A_48 = vector.broadcast %broadcast_in_dim3A_47 : i32 to vector<128x1xi32>
    %broadcast_in_dim3A_49 = arith.constant 2147483647 : i32
    %broadcast_in_dim3A_50 = vector.broadcast %broadcast_in_dim3A_49 : i32 to vector<128x1xi32>
    %scan3A = arith.constant 0 : i32
    %scan3A_51 = arith.constant 32 : i32
    %scan3A_52 = arith.addi %scan3A, %scan3A_51 : i32
    %scan3A_53 = arith.constant 1 : i32
    %scan3A_54:2 = scf.for %scan3A_339 = %scan3A to %scan3A_52 step %scan3A_53 iter_args(%scan3A_340 = %broadcast_in_dim3A_48, %scan3A_341 = %broadcast_in_dim3A_50) -> (vector<128x1xi32>, vector<128x1xi32>)  : i32 {
      %shift_right_arithmetic3A = arith.constant 1 : i32
      %shift_right_arithmetic3A_342 = vector.broadcast %shift_right_arithmetic3A : i32 to vector<128x1xi32>
      %shift_right_arithmetic3A_343 = arith.shrsi %scan3A_340, %shift_right_arithmetic3A_342 : vector<128x1xi32>
      %shift_right_arithmetic3A_344 = arith.constant 1 : i32
      %shift_right_arithmetic3A_345 = vector.broadcast %shift_right_arithmetic3A_344 : i32 to vector<128x1xi32>
      %shift_right_arithmetic3A_346 = arith.shrsi %scan3A_341, %shift_right_arithmetic3A_345 : vector<128x1xi32>
      %add3A_347 = arith.addi %shift_right_arithmetic3A_343, %shift_right_arithmetic3A_346 : vector<128x1xi32>
      %and3A_348 = arith.andi %scan3A_340, %scan3A_341 : vector<128x1xi32>
      %and3A_349 = arith.constant 1 : i32
      %and3A_350 = vector.broadcast %and3A_349 : i32 to vector<128x1xi32>
      %and3A_351 = arith.andi %and3A_348, %and3A_350 : vector<128x1xi32>
      %add3A_352 = arith.addi %add3A_347, %and3A_351 : vector<128x1xi32>
      %xor3A_353 = arith.xori %scan3A_340, %scan3A_341 : vector<128x1xi32>
      %and3A_354 = arith.constant 1 : i32
      %and3A_355 = vector.broadcast %and3A_354 : i32 to vector<128x1xi32>
      %and3A_356 = arith.andi %xor3A_353, %and3A_355 : vector<128x1xi32>
      %add3A_357 = arith.addi %add3A_352, %and3A_356 : vector<128x1xi32>
      %ge3A_358 = vector.broadcast %add3A_357 : vector<128x1xi32> to vector<128x200xi32>
      %ge3A_359 = arith.cmpi sge, %select_n3A, %ge3A_358 : vector<128x200xi32>
      %jit3A_360 = arith.constant 1.000000e+00 : f32
      %jit3A_361 = arith.constant 0.000000e+00 : f32
      %broadcast_in_dim3A_362 = vector.broadcast %jit3A_360 : f32 to vector<128x200xf32>
      %broadcast_in_dim3A_363 = vector.broadcast %jit3A_361 : f32 to vector<128x200xf32>
      %select_n3A_364 = arith.select %ge3A_359, %broadcast_in_dim3A_362, %broadcast_in_dim3A_363 : vector<128x200xi1>, vector<128x200xf32>
      %reduce_sum3A_365 = arith.constant dense<0.000000e+00> : vector<128xf32>
      %reduce_sum3A_366 = vector.multi_reduction <add>, %select_n3A_364, %reduce_sum3A_365 [1] : vector<128x200xf32> to vector<128xf32>
      %broadcast_in_dim3A_367 = vector.shape_cast %reduce_sum3A_366 : vector<128xf32> to vector<128x1xf32>
      %ge3A_368 = arith.constant 3.000000e+01 : f32
      %ge3A_369 = vector.broadcast %ge3A_368 : f32 to vector<128x1xf32>
      %ge3A_370 = arith.cmpf oge, %broadcast_in_dim3A_367, %ge3A_369 : vector<128x1xf32>
      %select_n3A_371 = arith.select %ge3A_370, %add3A_357, %scan3A_340 : vector<128x1xi1>, vector<128x1xi32>
      %sub3A_372 = arith.constant 1 : i32
      %sub3A_373 = vector.broadcast %sub3A_372 : i32 to vector<128x1xi32>
      %sub3A_374 = arith.subi %add3A_357, %sub3A_373 : vector<128x1xi32>
      %select_n3A_375 = arith.select %ge3A_370, %scan3A_341, %sub3A_374 : vector<128x1xi1>, vector<128x1xi32>
      scf.yield %select_n3A_371, %select_n3A_375 : vector<128x1xi32>, vector<128x1xi32>
    }
    %gt3A = vector.broadcast %scan3A_54#0 : vector<128x1xi32> to vector<128x200xi32>
    %gt3A_55 = arith.cmpi sgt, %select_n3A, %gt3A : vector<128x200xi32>
    %eq3A = vector.broadcast %scan3A_54#0 : vector<128x1xi32> to vector<128x200xi32>
    %eq3A_56 = arith.cmpi eq, %select_n3A, %eq3A : vector<128x200xi32>
    %jit3A = arith.constant 1.000000e+00 : f32
    %jit3A_57 = arith.constant 0.000000e+00 : f32
    %broadcast_in_dim3A_58 = vector.broadcast %jit3A : f32 to vector<128x200xf32>
    %broadcast_in_dim3A_59 = vector.broadcast %jit3A_57 : f32 to vector<128x200xf32>
    %select_n3A_60 = arith.select %gt3A_55, %broadcast_in_dim3A_58, %broadcast_in_dim3A_59 : vector<128x200xi1>, vector<128x200xf32>
    %reduce_sum3A_61 = arith.constant dense<0.000000e+00> : vector<128xf32>
    %reduce_sum3A_62 = vector.multi_reduction <add>, %select_n3A_60, %reduce_sum3A_61 [1] : vector<128x200xf32> to vector<128xf32>
    %broadcast_in_dim3A_63 = vector.shape_cast %reduce_sum3A_62 : vector<128xf32> to vector<128x1xf32>
    %iota3A = tpu.iota {dimensions = array<i32: 0>} : vector<200x200xi32>
    %iota3A_64 = tpu.iota {dimensions = array<i32: 1>} : vector<200x200xi32>
    %le3A = arith.cmpi sle, %iota3A, %iota3A_64 : vector<200x200xi32>
    %jit3A_65 = arith.constant 1.000000e+00 : f32
    %jit3A_66 = arith.constant 0.000000e+00 : f32
    %broadcast_in_dim3A_67 = vector.broadcast %jit3A_65 : f32 to vector<200x200xf32>
    %broadcast_in_dim3A_68 = vector.broadcast %jit3A_66 : f32 to vector<200x200xf32>
    %select_n3A_69 = arith.select %le3A, %broadcast_in_dim3A_67, %broadcast_in_dim3A_68 : vector<200x200xi1>, vector<200x200xf32>
    %jit3A_70 = arith.constant 1.000000e+00 : f32
    %jit3A_71 = arith.constant 0.000000e+00 : f32
    %broadcast_in_dim3A_72 = vector.broadcast %jit3A_70 : f32 to vector<128x200xf32>
    %broadcast_in_dim3A_73 = vector.broadcast %jit3A_71 : f32 to vector<128x200xf32>
    %select_n3A_74 = arith.select %eq3A_56, %broadcast_in_dim3A_72, %broadcast_in_dim3A_73 : vector<128x200xi1>, vector<128x200xf32>
    %dot_general3A_75 = arith.constant dense<0.000000e+00> : vector<128x200xf32>
    %dot_general3A_76 = tpu.matmul %select_n3A_74, %select_n3A_69, %dot_general3A_75 {dimension_numbers = #tpu.dot_dimension_numbers<[1], [0], [0], [1], [0, 0, 1, 1], [], []>, transpose_lhs_hint = false} : vector<128x200xf32>, vector<200x200xf32>, vector<128x200xf32> -> vector<128x200xf32>
    %sub3A = arith.constant 3.000000e+01 : f32
    %sub3A_77 = vector.broadcast %sub3A : f32 to vector<128x1xf32>
    %sub3A_78 = arith.subf %sub3A_77, %broadcast_in_dim3A_63 : vector<128x1xf32>
    %le3A_79 = vector.broadcast %sub3A_78 : vector<128x1xf32> to vector<128x200xf32>
    %le3A_80 = arith.cmpf ole, %dot_general3A_76, %le3A_79 : vector<128x200xf32>
    %and3A = arith.andi %eq3A_56, %le3A_80 : vector<128x200xi1>
    %or3A = arith.ori %gt3A_55, %and3A : vector<128x200xi1>
    %jit3A_81 = arith.constant 0xFF800000 : f32
    %broadcast_in_dim3A_82 = vector.broadcast %jit3A_81 : f32 to vector<128x200xf32>
    %select_n3A_83 = arith.select %or3A, %concatenate3A, %broadcast_in_dim3A_82 : vector<128x200xi1>, vector<128x200xf32>
    %reduce_max3A = arith.constant dense<0xFF800000> : vector<128xf32>
    %reduce_max3A_84 = vector.multi_reduction <maximumf>, %select_n3A_83, %reduce_max3A [1] : vector<128x200xf32> to vector<128xf32>
    %broadcast_in_dim3A_85 = vector.shape_cast %reduce_max3A_84 : vector<128xf32> to vector<128x1xf32>
    %sub3A_86 = vector.broadcast %broadcast_in_dim3A_85 : vector<128x1xf32> to vector<128x200xf32>
    %sub3A_87 = arith.subf %select_n3A_83, %sub3A_86 : vector<128x200xf32>
    %exp3A = math.exp %sub3A_87 : vector<128x200xf32>
    %reduce_sum3A_88 = arith.constant dense<0.000000e+00> : vector<128xf32>
    %reduce_sum3A_89 = vector.multi_reduction <add>, %exp3A, %reduce_sum3A_88 [1] : vector<128x200xf32> to vector<128xf32>
    %broadcast_in_dim3A_90 = vector.shape_cast %reduce_sum3A_89 : vector<128xf32> to vector<128x1xf32>
    %div3A = vector.broadcast %broadcast_in_dim3A_90 : vector<128x1xf32> to vector<128x200xf32>
    %div3A_91 = arith.divf %exp3A, %div3A : vector<128x200xf32>
    %broadcast_in_dim3A_92 = arith.constant 0.000000e+00 : f32
    %broadcast_in_dim3A_93 = vector.broadcast %broadcast_in_dim3A_92 : f32 to vector<128x64xf32>
    %slice3A_94 = vector.extract_strided_slice %reshape3A {offsets = [0, 0, 0], sizes = [128, 40, 64], strides = [1, 1, 1]} : vector<128x200x64xf32> to vector<128x40x64xf32>
    %slice3A_95 = vector.extract_strided_slice %div3A_91 {offsets = [0, 0], sizes = [128, 40], strides = [1, 1]} : vector<128x200xf32> to vector<128x40xf32>
    %broadcast_in_dim3A_96 = vector.shape_cast %slice3A_95 : vector<128x40xf32> to vector<128x40x1xf32>
    %mul3A_97 = vector.broadcast %broadcast_in_dim3A_96 : vector<128x40x1xf32> to vector<128x40x64xf32>
    %mul3A_98 = arith.mulf %slice3A_94, %mul3A_97 : vector<128x40x64xf32>
    %reduce_sum3A_99 = arith.constant dense<0.000000e+00> : vector<128x64xf32>
    %reduce_sum3A_100 = vector.multi_reduction <add>, %mul3A_98, %reduce_sum3A_99 [1] : vector<128x40x64xf32> to vector<128x64xf32>
    %add3A = arith.addf %broadcast_in_dim3A_93, %reduce_sum3A_100 : vector<128x64xf32>
    %slice3A_101 = vector.extract_strided_slice %reshape3A {offsets = [0, 40, 0], sizes = [128, 40, 64], strides = [1, 1, 1]} : vector<128x200x64xf32> to vector<128x40x64xf32>
    %slice3A_102 = vector.extract_strided_slice %div3A_91 {offsets = [0, 40], sizes = [128, 40], strides = [1, 1]} : vector<128x200xf32> to vector<128x40xf32>
    %broadcast_in_dim3A_103 = vector.shape_cast %slice3A_102 : vector<128x40xf32> to vector<128x40x1xf32>
    %mul3A_104 = vector.broadcast %broadcast_in_dim3A_103 : vector<128x40x1xf32> to vector<128x40x64xf32>
    %mul3A_105 = arith.mulf %slice3A_101, %mul3A_104 : vector<128x40x64xf32>
    %reduce_sum3A_106 = arith.constant dense<0.000000e+00> : vector<128x64xf32>
    %reduce_sum3A_107 = vector.multi_reduction <add>, %mul3A_105, %reduce_sum3A_106 [1] : vector<128x40x64xf32> to vector<128x64xf32>
    %add3A_108 = arith.addf %add3A, %reduce_sum3A_107 : vector<128x64xf32>
    %slice3A_109 = vector.extract_strided_slice %reshape3A {offsets = [0, 80, 0], sizes = [128, 40, 64], strides = [1, 1, 1]} : vector<128x200x64xf32> to vector<128x40x64xf32>
    %slice3A_110 = vector.extract_strided_slice %div3A_91 {offsets = [0, 80], sizes = [128, 40], strides = [1, 1]} : vector<128x200xf32> to vector<128x40xf32>
    %broadcast_in_dim3A_111 = vector.shape_cast %slice3A_110 : vector<128x40xf32> to vector<128x40x1xf32>
    %mul3A_112 = vector.broadcast %broadcast_in_dim3A_111 : vector<128x40x1xf32> to vector<128x40x64xf32>
    %mul3A_113 = arith.mulf %slice3A_109, %mul3A_112 : vector<128x40x64xf32>
    %reduce_sum3A_114 = arith.constant dense<0.000000e+00> : vector<128x64xf32>
    %reduce_sum3A_115 = vector.multi_reduction <add>, %mul3A_113, %reduce_sum3A_114 [1] : vector<128x40x64xf32> to vector<128x64xf32>
    %add3A_116 = arith.addf %add3A_108, %reduce_sum3A_115 : vector<128x64xf32>
    %slice3A_117 = vector.extract_strided_slice %reshape3A {offsets = [0, 120, 0], sizes = [128, 40, 64], strides = [1, 1, 1]} : vector<128x200x64xf32> to vector<128x40x64xf32>
    %slice3A_118 = vector.extract_strided_slice %div3A_91 {offsets = [0, 120], sizes = [128, 40], strides = [1, 1]} : vector<128x200xf32> to vector<128x40xf32>
    %broadcast_in_dim3A_119 = vector.shape_cast %slice3A_118 : vector<128x40xf32> to vector<128x40x1xf32>
    %mul3A_120 = vector.broadcast %broadcast_in_dim3A_119 : vector<128x40x1xf32> to vector<128x40x64xf32>
    %mul3A_121 = arith.mulf %slice3A_117, %mul3A_120 : vector<128x40x64xf32>
    %reduce_sum3A_122 = arith.constant dense<0.000000e+00> : vector<128x64xf32>
    %reduce_sum3A_123 = vector.multi_reduction <add>, %mul3A_121, %reduce_sum3A_122 [1] : vector<128x40x64xf32> to vector<128x64xf32>
    %add3A_124 = arith.addf %add3A_116, %reduce_sum3A_123 : vector<128x64xf32>
    %slice3A_125 = vector.extract_strided_slice %reshape3A {offsets = [0, 160, 0], sizes = [128, 40, 64], strides = [1, 1, 1]} : vector<128x200x64xf32> to vector<128x40x64xf32>
    %slice3A_126 = vector.extract_strided_slice %div3A_91 {offsets = [0, 160], sizes = [128, 40], strides = [1, 1]} : vector<128x200xf32> to vector<128x40xf32>
    %broadcast_in_dim3A_127 = vector.shape_cast %slice3A_126 : vector<128x40xf32> to vector<128x40x1xf32>
    %mul3A_128 = vector.broadcast %broadcast_in_dim3A_127 : vector<128x40x1xf32> to vector<128x40x64xf32>
    %mul3A_129 = arith.mulf %slice3A_125, %mul3A_128 : vector<128x40x64xf32>
    %reduce_sum3A_130 = arith.constant dense<0.000000e+00> : vector<128x64xf32>
    %reduce_sum3A_131 = vector.multi_reduction <add>, %mul3A_129, %reduce_sum3A_130 [1] : vector<128x40x64xf32> to vector<128x64xf32>
    %add3A_132 = arith.addf %add3A_124, %reduce_sum3A_131 : vector<128x64xf32>
    %get3A_133 = arith.constant 0 : index
    %get3A_134 = arith.constant 0 : index
    %get3A_135 = vector.load %arg7[%get3A_133, %get3A_134] : memref<64x128xf32, #tpu.memory_space<vmem>>, vector<64x128xf32>
    %dot_general3A_136 = arith.constant dense<0.000000e+00> : vector<128x128xf32>
    %dot_general3A_137 = tpu.matmul %add3A_132, %get3A_135, %dot_general3A_136 {dimension_numbers = #tpu.dot_dimension_numbers<[1], [0], [0], [1], [0, 0, 1, 1], [], []>, transpose_lhs_hint = false} : vector<128x64xf32>, vector<64x128xf32>, vector<128x128xf32> -> vector<128x128xf32>
    %get3A_138 = arith.constant 0 : index
    %get3A_139 = arith.constant 0 : index
    %get3A_140 = vector.load %arg8[%get3A_138, %get3A_139] : memref<128x64xf32, #tpu.memory_space<vmem>>, vector<128x64xf32>
    %dot_general3A_141 = arith.constant dense<0.000000e+00> : vector<128x64xf32>
    %dot_general3A_142 = tpu.matmul %dot_general3A_137, %get3A_140, %dot_general3A_141 {dimension_numbers = #tpu.dot_dimension_numbers<[1], [0], [0], [1], [0, 0, 1, 1], [], []>, transpose_lhs_hint = false} : vector<128x128xf32>, vector<128x64xf32>, vector<128x64xf32> -> vector<128x64xf32>
    %get3A_143 = arith.constant 0 : index
    %get3A_144 = arith.constant 0 : index
    %get3A_145 = vector.load %arg9[%get3A_143, %get3A_144] : memref<1x64xf32, #tpu.memory_space<vmem>>, vector<1x64xf32>
    %add3A_146 = vector.broadcast %get3A_145 : vector<1x64xf32> to vector<128x64xf32>
    %add3A_147 = arith.addf %dot_general3A_142, %add3A_146 : vector<128x64xf32>
    %get3A_148 = arith.constant 0 : index
    %get3A_149 = arith.constant 0 : index
    %get3A_150 = vector.load %arg2[%get3A_148, %get3A_149] : memref<128x1664xf32, #tpu.memory_space<vmem>>, vector<128x1664xf32>
    %get3A_151 = arith.constant 0 : index
    %get3A_152 = arith.constant 0 : index
    %get3A_153 = vector.load %arg10[%get3A_151, %get3A_152] : memref<1664x64xf32, #tpu.memory_space<vmem>>, vector<1664x64xf32>
    %dot_general3A_154 = arith.constant dense<0.000000e+00> : vector<128x64xf32>
    %dot_general3A_155 = tpu.matmul %get3A_150, %get3A_153, %dot_general3A_154 {dimension_numbers = #tpu.dot_dimension_numbers<[1], [0], [0], [1], [0, 0, 1, 1], [], []>, transpose_lhs_hint = false} : vector<128x1664xf32>, vector<1664x64xf32>, vector<128x64xf32> -> vector<128x64xf32>
    %get3A_156 = arith.constant 0 : index
    %get3A_157 = arith.constant 0 : index
    %get3A_158 = vector.load %arg11[%get3A_156, %get3A_157] : memref<1x64xf32, #tpu.memory_space<vmem>>, vector<1x64xf32>
    %add3A_159 = vector.broadcast %get3A_158 : vector<1x64xf32> to vector<128x64xf32>
    %add3A_160 = arith.addf %dot_general3A_155, %add3A_159 : vector<128x64xf32>
    %get3A_161 = arith.constant 0 : index
    %get3A_162 = arith.constant 0 : index
    %get3A_163 = vector.load %arg4[%get3A_161, %get3A_162] : memref<128x13xf32, #tpu.memory_space<vmem>>, vector<128x13xf32>
    %get3A_164 = arith.constant 0 : index
    %get3A_165 = arith.constant 0 : index
    %get3A_166 = vector.load %arg12[%get3A_164, %get3A_165] : memref<13x64xf32, #tpu.memory_space<vmem>>, vector<13x64xf32>
    %dot_general3A_167 = arith.constant dense<0.000000e+00> : vector<128x64xf32>
    %dot_general3A_168 = tpu.matmul %get3A_163, %get3A_166, %dot_general3A_167 {dimension_numbers = #tpu.dot_dimension_numbers<[1], [0], [0], [1], [0, 0, 1, 1], [], []>, transpose_lhs_hint = false} : vector<128x13xf32>, vector<13x64xf32>, vector<128x64xf32> -> vector<128x64xf32>
    %get3A_169 = arith.constant 0 : index
    %get3A_170 = arith.constant 0 : index
    %get3A_171 = vector.load %arg13[%get3A_169, %get3A_170] : memref<1x64xf32, #tpu.memory_space<vmem>>, vector<1x64xf32>
    %add3A_172 = vector.broadcast %get3A_171 : vector<1x64xf32> to vector<128x64xf32>
    %add3A_173 = arith.addf %dot_general3A_168, %add3A_172 : vector<128x64xf32>
    %get3A_174 = arith.constant 0 : index
    %get3A_175 = arith.constant 0 : index
    %get3A_176 = vector.load %arg14[%get3A_174, %get3A_175] : memref<256x512xf32, #tpu.memory_space<vmem>>, vector<256x512xf32>
    %slice3A_177 = vector.extract_strided_slice %get3A_176 {offsets = [0, 0], sizes = [64, 512], strides = [1, 1]} : vector<256x512xf32> to vector<64x512xf32>
    %dot_general3A_178 = arith.constant dense<0.000000e+00> : vector<128x512xf32>
    %dot_general3A_179 = tpu.matmul %get3A_1, %slice3A_177, %dot_general3A_178 {dimension_numbers = #tpu.dot_dimension_numbers<[1], [0], [0], [1], [0, 0, 1, 1], [], []>, transpose_lhs_hint = false} : vector<128x64xf32>, vector<64x512xf32>, vector<128x512xf32> -> vector<128x512xf32>
    %slice3A_180 = vector.extract_strided_slice %get3A_176 {offsets = [64, 0], sizes = [64, 512], strides = [1, 1]} : vector<256x512xf32> to vector<64x512xf32>
    %dot_general3A_181 = arith.constant dense<0.000000e+00> : vector<128x512xf32>
    %dot_general3A_182 = tpu.matmul %add3A_147, %slice3A_180, %dot_general3A_181 {dimension_numbers = #tpu.dot_dimension_numbers<[1], [0], [0], [1], [0, 0, 1, 1], [], []>, transpose_lhs_hint = false} : vector<128x64xf32>, vector<64x512xf32>, vector<128x512xf32> -> vector<128x512xf32>
    %add3A_183 = arith.addf %dot_general3A_179, %dot_general3A_182 : vector<128x512xf32>
    %slice3A_184 = vector.extract_strided_slice %get3A_176 {offsets = [128, 0], sizes = [64, 512], strides = [1, 1]} : vector<256x512xf32> to vector<64x512xf32>
    %dot_general3A_185 = arith.constant dense<0.000000e+00> : vector<128x512xf32>
    %dot_general3A_186 = tpu.matmul %add3A_160, %slice3A_184, %dot_general3A_185 {dimension_numbers = #tpu.dot_dimension_numbers<[1], [0], [0], [1], [0, 0, 1, 1], [], []>, transpose_lhs_hint = false} : vector<128x64xf32>, vector<64x512xf32>, vector<128x512xf32> -> vector<128x512xf32>
    %add3A_187 = arith.addf %add3A_183, %dot_general3A_186 : vector<128x512xf32>
    %slice3A_188 = vector.extract_strided_slice %get3A_176 {offsets = [192, 0], sizes = [64, 512], strides = [1, 1]} : vector<256x512xf32> to vector<64x512xf32>
    %dot_general3A_189 = arith.constant dense<0.000000e+00> : vector<128x512xf32>
    %dot_general3A_190 = tpu.matmul %add3A_173, %slice3A_188, %dot_general3A_189 {dimension_numbers = #tpu.dot_dimension_numbers<[1], [0], [0], [1], [0, 0, 1, 1], [], []>, transpose_lhs_hint = false} : vector<128x64xf32>, vector<64x512xf32>, vector<128x512xf32> -> vector<128x512xf32>
    %add3A_191 = arith.addf %add3A_187, %dot_general3A_190 : vector<128x512xf32>
    %get3A_192 = arith.constant 0 : index
    %get3A_193 = arith.constant 0 : index
    %get3A_194 = vector.load %arg15[%get3A_192, %get3A_193] : memref<1x512xf32, #tpu.memory_space<vmem>>, vector<1x512xf32>
    %add3A_195 = vector.broadcast %get3A_194 : vector<1x512xf32> to vector<128x512xf32>
    %add3A_196 = arith.addf %add3A_191, %add3A_195 : vector<128x512xf32>
    %max3A = arith.constant 0.000000e+00 : f32
    %max3A_197 = vector.broadcast %max3A : f32 to vector<128x512xf32>
    %max3A_198 = arith.maximumf %add3A_196, %max3A_197 : vector<128x512xf32>
    %get3A_199 = arith.constant 0 : index
    %get3A_200 = arith.constant 0 : index
    %get3A_201 = vector.load %arg16[%get3A_199, %get3A_200] : memref<512x512xf32, #tpu.memory_space<vmem>>, vector<512x512xf32>
    %get3A_202 = arith.constant 0 : index
    %get3A_203 = arith.constant 0 : index
    %get3A_204 = vector.load %arg17[%get3A_202, %get3A_203] : memref<1x512xf32, #tpu.memory_space<vmem>>, vector<1x512xf32>
    %get3A_205 = arith.constant 0 : index
    %get3A_206 = arith.constant 0 : index
    %get3A_207 = vector.load %arg18[%get3A_205, %get3A_206] : memref<512x512xf32, #tpu.memory_space<vmem>>, vector<512x512xf32>
    %get3A_208 = arith.constant 0 : index
    %get3A_209 = arith.constant 0 : index
    %get3A_210 = vector.load %arg19[%get3A_208, %get3A_209] : memref<1x512xf32, #tpu.memory_space<vmem>>, vector<1x512xf32>
    %get3A_211 = arith.constant 0 : index
    %get3A_212 = arith.constant 0 : index
    %get3A_213 = vector.load %arg20[%get3A_211, %get3A_212] : memref<512x512xf32, #tpu.memory_space<vmem>>, vector<512x512xf32>
    %get3A_214 = arith.constant 0 : index
    %get3A_215 = arith.constant 0 : index
    %get3A_216 = vector.load %arg21[%get3A_214, %get3A_215] : memref<1x512xf32, #tpu.memory_space<vmem>>, vector<1x512xf32>
    %get3A_217 = arith.constant 0 : index
    %get3A_218 = arith.constant 0 : index
    %get3A_219 = vector.load %arg22[%get3A_217, %get3A_218] : memref<1x512xf32, #tpu.memory_space<vmem>>, vector<1x512xf32>
    %get3A_220 = arith.constant 0 : index
    %get3A_221 = arith.constant 0 : index
    %get3A_222 = vector.load %arg23[%get3A_220, %get3A_221] : memref<1x512xf32, #tpu.memory_space<vmem>>, vector<1x512xf32>
    %dot_general3A_223 = arith.constant dense<0.000000e+00> : vector<128x512xf32>
    %dot_general3A_224 = tpu.matmul %max3A_198, %get3A_201, %dot_general3A_223 {dimension_numbers = #tpu.dot_dimension_numbers<[1], [0], [0], [1], [0, 0, 1, 1], [], []>, transpose_lhs_hint = false} : vector<128x512xf32>, vector<512x512xf32>, vector<128x512xf32> -> vector<128x512xf32>
    %add3A_225 = vector.broadcast %get3A_204 : vector<1x512xf32> to vector<128x512xf32>
    %add3A_226 = arith.addf %dot_general3A_224, %add3A_225 : vector<128x512xf32>
    %dot_general3A_227 = arith.constant dense<0.000000e+00> : vector<128x512xf32>
    %dot_general3A_228 = tpu.matmul %max3A_198, %get3A_207, %dot_general3A_227 {dimension_numbers = #tpu.dot_dimension_numbers<[1], [0], [0], [1], [0, 0, 1, 1], [], []>, transpose_lhs_hint = false} : vector<128x512xf32>, vector<512x512xf32>, vector<128x512xf32> -> vector<128x512xf32>
    %add3A_229 = vector.broadcast %get3A_210 : vector<1x512xf32> to vector<128x512xf32>
    %add3A_230 = arith.addf %dot_general3A_228, %add3A_229 : vector<128x512xf32>
    %mul3A_231 = arith.mulf %add3A_226, %add3A_230 : vector<128x512xf32>
    %dot_general3A_232 = arith.constant dense<0.000000e+00> : vector<128x512xf32>
    %dot_general3A_233 = tpu.matmul %mul3A_231, %get3A_213, %dot_general3A_232 {dimension_numbers = #tpu.dot_dimension_numbers<[1], [0], [0], [1], [0, 0, 1, 1], [], []>, transpose_lhs_hint = false} : vector<128x512xf32>, vector<512x512xf32>, vector<128x512xf32> -> vector<128x512xf32>
    %add3A_234 = arith.addf %max3A_198, %dot_general3A_233 : vector<128x512xf32>
    %add3A_235 = vector.broadcast %get3A_216 : vector<1x512xf32> to vector<128x512xf32>
    %add3A_236 = arith.addf %add3A_234, %add3A_235 : vector<128x512xf32>
    %reduce_sum3A_237 = arith.constant dense<0.000000e+00> : vector<128xf32>
    %reduce_sum3A_238 = vector.multi_reduction <add>, %add3A_236, %reduce_sum3A_237 [1] : vector<128x512xf32> to vector<128xf32>
    %broadcast_in_dim3A_239 = vector.shape_cast %reduce_sum3A_238 : vector<128xf32> to vector<128x1xf32>
    %div3A_240 = arith.constant 5.120000e+02 : f32
    %div3A_241 = vector.broadcast %div3A_240 : f32 to vector<128x1xf32>
    %div3A_242 = arith.divf %broadcast_in_dim3A_239, %div3A_241 : vector<128x1xf32>
    %sub3A_243 = vector.broadcast %div3A_242 : vector<128x1xf32> to vector<128x512xf32>
    %sub3A_244 = arith.subf %add3A_236, %sub3A_243 : vector<128x512xf32>
    %integer_pow3A = arith.mulf %sub3A_244, %sub3A_244 : vector<128x512xf32>
    %reduce_sum3A_245 = arith.constant dense<0.000000e+00> : vector<128xf32>
    %reduce_sum3A_246 = vector.multi_reduction <add>, %integer_pow3A, %reduce_sum3A_245 [1] : vector<128x512xf32> to vector<128xf32>
    %broadcast_in_dim3A_247 = vector.shape_cast %reduce_sum3A_246 : vector<128xf32> to vector<128x1xf32>
    %div3A_248 = arith.constant 5.120000e+02 : f32
    %div3A_249 = vector.broadcast %div3A_248 : f32 to vector<128x1xf32>
    %div3A_250 = arith.divf %broadcast_in_dim3A_247, %div3A_249 : vector<128x1xf32>
    %sub3A_251 = vector.broadcast %div3A_242 : vector<128x1xf32> to vector<128x512xf32>
    %sub3A_252 = arith.subf %add3A_236, %sub3A_251 : vector<128x512xf32>
    %mul3A_253 = vector.broadcast %get3A_219 : vector<1x512xf32> to vector<128x512xf32>
    %mul3A_254 = arith.mulf %mul3A_253, %sub3A_252 : vector<128x512xf32>
    %add3A_255 = arith.constant 9.99999974E-6 : f32
    %add3A_256 = vector.broadcast %add3A_255 : f32 to vector<128x1xf32>
    %add3A_257 = arith.addf %div3A_250, %add3A_256 : vector<128x1xf32>
    %sqrt3A = math.sqrt %add3A_257 : vector<128x1xf32>
    %div3A_258 = vector.broadcast %sqrt3A : vector<128x1xf32> to vector<128x512xf32>
    %div3A_259 = arith.divf %mul3A_254, %div3A_258 : vector<128x512xf32>
    %add3A_260 = vector.broadcast %get3A_222 : vector<1x512xf32> to vector<128x512xf32>
    %add3A_261 = arith.addf %div3A_259, %add3A_260 : vector<128x512xf32>
    %get3A_262 = arith.constant 0 : index
    %get3A_263 = arith.constant 0 : index
    %get3A_264 = vector.load %arg24[%get3A_262, %get3A_263] : memref<512x512xf32, #tpu.memory_space<vmem>>, vector<512x512xf32>
    %get3A_265 = arith.constant 0 : index
    %get3A_266 = arith.constant 0 : index
    %get3A_267 = vector.load %arg25[%get3A_265, %get3A_266] : memref<1x512xf32, #tpu.memory_space<vmem>>, vector<1x512xf32>
    %get3A_268 = arith.constant 0 : index
    %get3A_269 = arith.constant 0 : index
    %get3A_270 = vector.load %arg26[%get3A_268, %get3A_269] : memref<512x512xf32, #tpu.memory_space<vmem>>, vector<512x512xf32>
    %get3A_271 = arith.constant 0 : index
    %get3A_272 = arith.constant 0 : index
    %get3A_273 = vector.load %arg27[%get3A_271, %get3A_272] : memref<1x512xf32, #tpu.memory_space<vmem>>, vector<1x512xf32>
    %get3A_274 = arith.constant 0 : index
    %get3A_275 = arith.constant 0 : index
    %get3A_276 = vector.load %arg28[%get3A_274, %get3A_275] : memref<512x512xf32, #tpu.memory_space<vmem>>, vector<512x512xf32>
    %get3A_277 = arith.constant 0 : index
    %get3A_278 = arith.constant 0 : index
    %get3A_279 = vector.load %arg29[%get3A_277, %get3A_278] : memref<1x512xf32, #tpu.memory_space<vmem>>, vector<1x512xf32>
    %get3A_280 = arith.constant 0 : index
    %get3A_281 = arith.constant 0 : index
    %get3A_282 = vector.load %arg30[%get3A_280, %get3A_281] : memref<1x512xf32, #tpu.memory_space<vmem>>, vector<1x512xf32>
    %get3A_283 = arith.constant 0 : index
    %get3A_284 = arith.constant 0 : index
    %get3A_285 = vector.load %arg31[%get3A_283, %get3A_284] : memref<1x512xf32, #tpu.memory_space<vmem>>, vector<1x512xf32>
    %dot_general3A_286 = arith.constant dense<0.000000e+00> : vector<128x512xf32>
    %dot_general3A_287 = tpu.matmul %add3A_261, %get3A_264, %dot_general3A_286 {dimension_numbers = #tpu.dot_dimension_numbers<[1], [0], [0], [1], [0, 0, 1, 1], [], []>, transpose_lhs_hint = false} : vector<128x512xf32>, vector<512x512xf32>, vector<128x512xf32> -> vector<128x512xf32>
    %add3A_288 = vector.broadcast %get3A_267 : vector<1x512xf32> to vector<128x512xf32>
    %add3A_289 = arith.addf %dot_general3A_287, %add3A_288 : vector<128x512xf32>
    %dot_general3A_290 = arith.constant dense<0.000000e+00> : vector<128x512xf32>
    %dot_general3A_291 = tpu.matmul %add3A_261, %get3A_270, %dot_general3A_290 {dimension_numbers = #tpu.dot_dimension_numbers<[1], [0], [0], [1], [0, 0, 1, 1], [], []>, transpose_lhs_hint = false} : vector<128x512xf32>, vector<512x512xf32>, vector<128x512xf32> -> vector<128x512xf32>
    %add3A_292 = vector.broadcast %get3A_273 : vector<1x512xf32> to vector<128x512xf32>
    %add3A_293 = arith.addf %dot_general3A_291, %add3A_292 : vector<128x512xf32>
    %mul3A_294 = arith.mulf %add3A_289, %add3A_293 : vector<128x512xf32>
    %dot_general3A_295 = arith.constant dense<0.000000e+00> : vector<128x512xf32>
    %dot_general3A_296 = tpu.matmul %mul3A_294, %get3A_276, %dot_general3A_295 {dimension_numbers = #tpu.dot_dimension_numbers<[1], [0], [0], [1], [0, 0, 1, 1], [], []>, transpose_lhs_hint = false} : vector<128x512xf32>, vector<512x512xf32>, vector<128x512xf32> -> vector<128x512xf32>
    %add3A_297 = arith.addf %add3A_261, %dot_general3A_296 : vector<128x512xf32>
    %add3A_298 = vector.broadcast %get3A_279 : vector<1x512xf32> to vector<128x512xf32>
    %add3A_299 = arith.addf %add3A_297, %add3A_298 : vector<128x512xf32>
    %reduce_sum3A_300 = arith.constant dense<0.000000e+00> : vector<128xf32>
    %reduce_sum3A_301 = vector.multi_reduction <add>, %add3A_299, %reduce_sum3A_300 [1] : vector<128x512xf32> to vector<128xf32>
    %broadcast_in_dim3A_302 = vector.shape_cast %reduce_sum3A_301 : vector<128xf32> to vector<128x1xf32>
    %div3A_303 = arith.constant 5.120000e+02 : f32
    %div3A_304 = vector.broadcast %div3A_303 : f32 to vector<128x1xf32>
    %div3A_305 = arith.divf %broadcast_in_dim3A_302, %div3A_304 : vector<128x1xf32>
    %sub3A_306 = vector.broadcast %div3A_305 : vector<128x1xf32> to vector<128x512xf32>
    %sub3A_307 = arith.subf %add3A_299, %sub3A_306 : vector<128x512xf32>
    %integer_pow3A_308 = arith.mulf %sub3A_307, %sub3A_307 : vector<128x512xf32>
    %reduce_sum3A_309 = arith.constant dense<0.000000e+00> : vector<128xf32>
    %reduce_sum3A_310 = vector.multi_reduction <add>, %integer_pow3A_308, %reduce_sum3A_309 [1] : vector<128x512xf32> to vector<128xf32>
    %broadcast_in_dim3A_311 = vector.shape_cast %reduce_sum3A_310 : vector<128xf32> to vector<128x1xf32>
    %div3A_312 = arith.constant 5.120000e+02 : f32
    %div3A_313 = vector.broadcast %div3A_312 : f32 to vector<128x1xf32>
    %div3A_314 = arith.divf %broadcast_in_dim3A_311, %div3A_313 : vector<128x1xf32>
    %sub3A_315 = vector.broadcast %div3A_305 : vector<128x1xf32> to vector<128x512xf32>
    %sub3A_316 = arith.subf %add3A_299, %sub3A_315 : vector<128x512xf32>
    %mul3A_317 = vector.broadcast %get3A_282 : vector<1x512xf32> to vector<128x512xf32>
    %mul3A_318 = arith.mulf %mul3A_317, %sub3A_316 : vector<128x512xf32>
    %add3A_319 = arith.constant 9.99999974E-6 : f32
    %add3A_320 = vector.broadcast %add3A_319 : f32 to vector<128x1xf32>
    %add3A_321 = arith.addf %div3A_314, %add3A_320 : vector<128x1xf32>
    %sqrt3A_322 = math.sqrt %add3A_321 : vector<128x1xf32>
    %div3A_323 = vector.broadcast %sqrt3A_322 : vector<128x1xf32> to vector<128x512xf32>
    %div3A_324 = arith.divf %mul3A_318, %div3A_323 : vector<128x512xf32>
    %add3A_325 = vector.broadcast %get3A_285 : vector<1x512xf32> to vector<128x512xf32>
    %add3A_326 = arith.addf %div3A_324, %add3A_325 : vector<128x512xf32>
    %get3A_327 = arith.constant 0 : index
    %get3A_328 = arith.constant 0 : index
    %get3A_329 = vector.load %arg32[%get3A_327, %get3A_328] : memref<512x1xf32, #tpu.memory_space<vmem>>, vector<512x1xf32>
    %dot_general3A_330 = arith.constant dense<0.000000e+00> : vector<128x1xf32>
    %dot_general3A_331 = tpu.matmul %add3A_326, %get3A_329, %dot_general3A_330 {dimension_numbers = #tpu.dot_dimension_numbers<[1], [0], [0], [1], [0, 0, 1, 1], [], []>, transpose_lhs_hint = false} : vector<128x512xf32>, vector<512x1xf32>, vector<128x1xf32> -> vector<128x1xf32>
    %get3A_332 = arith.constant 0 : index
    %get3A_333 = arith.constant 0 : index
    %get3A_334 = vector.load %arg33[%get3A_332, %get3A_333] : memref<1x1xf32, #tpu.memory_space<vmem>>, vector<1x1xf32>
    %add3A_335 = vector.broadcast %get3A_334 : vector<1x1xf32> to vector<128x1xf32>
    %add3A_336 = arith.addf %dot_general3A_331, %add3A_335 : vector<128x1xf32>
    %swap3A = arith.constant 0 : index
    %swap3A_337 = arith.constant 0 : index
    %swap3A_338 = vector.load %arg34[%swap3A, %swap3A_337] : memref<128x1xf32, #tpu.memory_space<vmem>>, vector<128x1xf32>
    tpu.vector_store %arg34[%swap3A, %swap3A_337], %add3A_336 {strides = array<i32>} : memref<128x1xf32, #tpu.memory_space<vmem>>, vector<128x1xf32>,
    return
  }
  func.func @transform_0(%arg0: i32) -> (i32, i32) {
    %c0_i32 = arith.constant 0 : i32
    %c0_i32_0 = arith.constant 0 : i32
    return %arg0, %c0_i32 : i32, i32
  }
  func.func @transform_1(%arg0: i32) -> (i32, i32) {
    %c0_i32 = arith.constant 0 : i32
    %c0_i32_0 = arith.constant 0 : i32
    return %arg0, %c0_i32 : i32, i32
  }
  func.func @transform_2(%arg0: i32) -> (i32, i32) {
    %c0_i32 = arith.constant 0 : i32
    %c0_i32_0 = arith.constant 0 : i32
    return %arg0, %c0_i32 : i32, i32
  }
  func.func @transform_3(%arg0: i32) -> (i32, i32) {
    %c0_i32 = arith.constant 0 : i32
    %c0_i32_0 = arith.constant 0 : i32
    return %arg0, %c0_i32 : i32, i32
  }
  func.func @transform_4(%arg0: i32) -> (i32, i32) {
    %c0_i32 = arith.constant 0 : i32
    %c0_i32_0 = arith.constant 0 : i32
    %c0_i32_1 = arith.constant 0 : i32
    return %c0_i32, %c0_i32_0 : i32, i32
  }
  func.func @transform_5(%arg0: i32) -> (i32, i32) {
    %c0_i32 = arith.constant 0 : i32
    %c0_i32_0 = arith.constant 0 : i32
    %c0_i32_1 = arith.constant 0 : i32
    return %c0_i32, %c0_i32_0 : i32, i32
  }
  func.func @transform_6(%arg0: i32) -> (i32, i32) {
    %c0_i32 = arith.constant 0 : i32
    %c0_i32_0 = arith.constant 0 : i32
    %c0_i32_1 = arith.constant 0 : i32
    return %c0_i32, %c0_i32_0 : i32, i32
  }
  func.func @transform_7(%arg0: i32) -> (i32, i32) {
    %c0_i32 = arith.constant 0 : i32
    %c0_i32_0 = arith.constant 0 : i32
    %c0_i32_1 = arith.constant 0 : i32
    return %c0_i32, %c0_i32_0 : i32, i32
  }
  func.func @transform_8(%arg0: i32) -> (i32, i32) {
    %c0_i32 = arith.constant 0 : i32
    %c0_i32_0 = arith.constant 0 : i32
    %c0_i32_1 = arith.constant 0 : i32
    return %c0_i32, %c0_i32_0 : i32, i32
  }
  func.func @transform_9(%arg0: i32) -> (i32, i32) {
    %c0_i32 = arith.constant 0 : i32
    %c0_i32_0 = arith.constant 0 : i32
    %c0_i32_1 = arith.constant 0 : i32
    return %c0_i32, %c0_i32_0 : i32, i32
  }
  func.func @transform_10(%arg0: i32) -> (i32, i32) {
    %c0_i32 = arith.constant 0 : i32
    %c0_i32_0 = arith.constant 0 : i32
    %c0_i32_1 = arith.constant 0 : i32
    return %c0_i32, %c0_i32_0 : i32, i32
  }
  func.func @transform_11(%arg0: i32) -> (i32, i32) {
    %c0_i32 = arith.constant 0 : i32
    %c0_i32_0 = arith.constant 0 : i32
    %c0_i32_1 = arith.constant 0 : i32
    return %c0_i32, %c0_i32_0 : i32, i32
  }
  func.func @transform_12(%arg0: i32) -> (i32, i32) {
    %c0_i32 = arith.constant 0 : i32
    %c0_i32_0 = arith.constant 0 : i32
    %c0_i32_1 = arith.constant 0 : i32
    return %c0_i32, %c0_i32_0 : i32, i32
  }
  func.func @transform_13(%arg0: i32) -> (i32, i32) {
    %c0_i32 = arith.constant 0 : i32
    %c0_i32_0 = arith.constant 0 : i32
    %c0_i32_1 = arith.constant 0 : i32
    return %c0_i32, %c0_i32_0 : i32, i32
  }
  func.func @transform_14(%arg0: i32) -> (i32, i32) {
    %c0_i32 = arith.constant 0 : i32
    %c0_i32_0 = arith.constant 0 : i32
    %c0_i32_1 = arith.constant 0 : i32
    return %c0_i32, %c0_i32_0 : i32, i32
  }
  func.func @transform_15(%arg0: i32) -> (i32, i32) {
    %c0_i32 = arith.constant 0 : i32
    %c0_i32_0 = arith.constant 0 : i32
    %c0_i32_1 = arith.constant 0 : i32
    return %c0_i32, %c0_i32_0 : i32, i32
  }
  func.func @transform_16(%arg0: i32) -> (i32, i32) {
    %c0_i32 = arith.constant 0 : i32
    %c0_i32_0 = arith.constant 0 : i32
    %c0_i32_1 = arith.constant 0 : i32
    return %c0_i32, %c0_i32_0 : i32, i32
  }
  func.func @transform_17(%arg0: i32) -> (i32, i32) {
    %c0_i32 = arith.constant 0 : i32
    %c0_i32_0 = arith.constant 0 : i32
    %c0_i32_1 = arith.constant 0 : i32
    return %c0_i32, %c0_i32_0 : i32, i32
  }
  func.func @transform_18(%arg0: i32) -> (i32, i32) {
    %c0_i32 = arith.constant 0 : i32
    %c0_i32_0 = arith.constant 0 : i32
    %c0_i32_1 = arith.constant 0 : i32
    return %c0_i32, %c0_i32_0 : i32, i32
  }
  func.func @transform_19(%arg0: i32) -> (i32, i32) {
    %c0_i32 = arith.constant 0 : i32
    %c0_i32_0 = arith.constant 0 : i32
    %c0_i32_1 = arith.constant 0 : i32
    return %c0_i32, %c0_i32_0 : i32, i32
  }
  func.func @transform_20(%arg0: i32) -> (i32, i32) {
    %c0_i32 = arith.constant 0 : i32
    %c0_i32_0 = arith.constant 0 : i32
    %c0_i32_1 = arith.constant 0 : i32
    return %c0_i32, %c0_i32_0 : i32, i32
  }
  func.func @transform_21(%arg0: i32) -> (i32, i32) {
    %c0_i32 = arith.constant 0 : i32
    %c0_i32_0 = arith.constant 0 : i32
    %c0_i32_1 = arith.constant 0 : i32
    return %c0_i32, %c0_i32_0 : i32, i32
  }
  func.func @transform_22(%arg0: i32) -> (i32, i32) {
    %c0_i32 = arith.constant 0 : i32
    %c0_i32_0 = arith.constant 0 : i32
    %c0_i32_1 = arith.constant 0 : i32
    return %c0_i32, %c0_i32_0 : i32, i32
  }
  func.func @transform_23(%arg0: i32) -> (i32, i32) {
    %c0_i32 = arith.constant 0 : i32
    %c0_i32_0 = arith.constant 0 : i32
    %c0_i32_1 = arith.constant 0 : i32
    return %c0_i32, %c0_i32_0 : i32, i32
  }
  func.func @transform_24(%arg0: i32) -> (i32, i32) {
    %c0_i32 = arith.constant 0 : i32
    %c0_i32_0 = arith.constant 0 : i32
    %c0_i32_1 = arith.constant 0 : i32
    return %c0_i32, %c0_i32_0 : i32, i32
  }
  func.func @transform_25(%arg0: i32) -> (i32, i32) {
    %c0_i32 = arith.constant 0 : i32
    %c0_i32_0 = arith.constant 0 : i32
    %c0_i32_1 = arith.constant 0 : i32
    return %c0_i32, %c0_i32_0 : i32, i32
  }
  func.func @transform_26(%arg0: i32) -> (i32, i32) {
    %c0_i32 = arith.constant 0 : i32
    %c0_i32_0 = arith.constant 0 : i32
    %c0_i32_1 = arith.constant 0 : i32
    return %c0_i32, %c0_i32_0 : i32, i32
  }
  func.func @transform_27(%arg0: i32) -> (i32, i32) {
    %c0_i32 = arith.constant 0 : i32
    %c0_i32_0 = arith.constant 0 : i32
    %c0_i32_1 = arith.constant 0 : i32
    return %c0_i32, %c0_i32_0 : i32, i32
  }
  func.func @transform_28(%arg0: i32) -> (i32, i32) {
    %c0_i32 = arith.constant 0 : i32
    %c0_i32_0 = arith.constant 0 : i32
    %c0_i32_1 = arith.constant 0 : i32
    return %c0_i32, %c0_i32_0 : i32, i32
  }
  func.func @transform_29(%arg0: i32) -> (i32, i32) {
    %c0_i32 = arith.constant 0 : i32
    %c0_i32_0 = arith.constant 0 : i32
    %c0_i32_1 = arith.constant 0 : i32
    return %c0_i32, %c0_i32_0 : i32, i32
  }
  func.func @transform_30(%arg0: i32) -> (i32, i32) {
    %c0_i32 = arith.constant 0 : i32
    %c0_i32_0 = arith.constant 0 : i32
    %c0_i32_1 = arith.constant 0 : i32
    return %c0_i32, %c0_i32_0 : i32, i32
  }
  func.func @transform_31(%arg0: i32) -> (i32, i32) {
    %c0_i32 = arith.constant 0 : i32
    %c0_i32_0 = arith.constant 0 : i32
    %c0_i32_1 = arith.constant 0 : i32
    return %c0_i32, %c0_i32_0 : i32, i32
  }
  func.func @transform_32(%arg0: i32) -> (i32, i32) {
    %c0_i32 = arith.constant 0 : i32
    %c0_i32_0 = arith.constant 0 : i32
    %c0_i32_1 = arith.constant 0 : i32
    return %c0_i32, %c0_i32_0 : i32, i32
  }
  func.func @transform_33(%arg0: i32) -> (i32, i32) {
    %c0_i32 = arith.constant 0 : i32
    %c0_i32_0 = arith.constant 0 : i32
    return %arg0, %c0_i32 : i32, i32
  }
}

</mosaic_0001>

<sc_bundles>
// kernel: kernel.4.cloned.1.call-start
scs
__scs_entry_jumppad:
0x0: {  	(pc) =	sbr.rel $0x88, $3  }
0x1: {  	(tag) =	ssettag $0x0;
	lr =	simm.s32 $0x1  }
0x2: {  	[smem:$0x3F7E] =	sst lr;
	_ =	strace $0xD0000000  }
0x3: {  	_ = 	snop  }
0x4: {  	_ = 	snop  }
0x5: {  	_ = 	snop  }
0x6: {  	_ = 	snop  }
0x7: {  	_ = 	snop  }
__scs_overlays_trampoline_lowered:
0x8: {  	[smem:$0x3F8D] =	sst s0  }
0x9: {  	[smem:$0x3F8E] =	sst s1  }
0xa: {  	[smem:$0x3F8F] =	sst s2  }
0xb: {  	[smem:$0x3F90] =	sst s3  }
0xc: {  	[smem:$0x3F91] =	sst s4  }
0xd: {  	[smem:$0x3F92] =	sst s5  }
0xe: {  	[smem:$0x3F93] =	sst s6  }
0xf: {  	[smem:$0x3F94] =	sst s7  }
0x10: {  	[smem:$0x3F95] =	sst s8  }
0x11: {  	[smem:$0x3F96] =	sst s9;
	s0 =	simm.s32 @!p0 $0x0  }
0x12: {  	s1 =	sld [smem:$0x3F7C];
	s0 =	simm.s32 @p0 $0x1  }
0x13: {  	[smem:$0x3F97] =	sst s0;
	s0 =	simm.s32 @!p1 $0x0  }
0x14: {  	s2 =	sld [smem:$0x3F7B];
	s0 =	simm.s32 @p1 $0x1  }
0x15: {  	[smem:$0x3F98] =	sst s0;
	s0 =	simm.s32 @!p2 $0x0  }
0x16: {  	s3 =	sld [smem:$0x3FDB];
	s0 =	simm.s32 @p2 $0x1  }
0x17: {  	s4 =	simm.s32 $0x1BF5;
	[smem:$0x3F9A] =	sst s0  }
0x18: {  	s0 =	sld [smem:$0x3F7D];
	_ =	swait.ge [sflag:s4], $0x0  }
0x19: {  	s7 =	sld [smem:$0x3F7E]  }
0x1a: {  	s8 =	sadd.s32 $0xFFFFE003, lr  }
0x1b: {  	s9 =	sadd.s32 $0xFFFFFEF7, lr;
	s5 =	simm.s32 $0xFFFFFFFF;
	p2 =	slt.u32 s8, $0xFFFFF086  }
0x1c: {  	p1 =	slt.u32 s9, $0xF7A;
	s5 =	simm.s32 @!p2 $0x0  }
0x1d: {  	s5 =	simm.s32 @p1 $0x1;
	p0 =	seq.s32 s7, s2  }
0x1e: {  	s7 =	smul.u32 @!p0 $0xF7A, s2;
	p2 =	seq.s32 @!p0 s5, $0x0  }
0x1f: {  	s9 =	smul.u32 $0xF7A, s1;
	s8 =	simm.s32 @!p0 $0x1BF5;
	p2 =	por !p2, p0  }
0x20: {  	[sflag:s8] =	ssyncset.s32 @!p0 $0xFFFFF086;
	s6 =	sadd.s32 @!p0 s3, s7;
	s7 =	simm.s32 @!p0 $0x108  }
0x21: {  	s3 =	sadd.s32 s3, s9;
	s6 =	sadd.s32 @!p0 $0x88, s6;
	s7 =	simm.s32 @p2 $0x1082  }
0x22: {  	[simem:s7], [sflag:s8] =	dma.local @!p0 [hbm:s6], $0xF7A  }
0x23: {  	s9 =	sor.u32 $0xD0000000, s2;
	s6 =	simm.s32 $0x108;
	_ =	swait.ge @!p0 [sflag:s8], $0x0  }
0x24: {  	s3 =	sadd.s32 $0x88, s3;
	s6 =	simm.s32 @!p1 $0x1082;
	[sflag:s4] =	ssyncset.s32 $0xFFFFF086  }
0x25: {  	[simem:s6], [sflag:s4] =	dma.local [hbm:s3], $0xF7A  }
0x26: {  	[smem:$0x3F7E] =	sst s1;
	(tag) =	ssettag s2;
	_ =	strace s9  }
0x27: {  	s1 =	sld [smem:$0x3F8E]  }
0x28: {  	s2 =	sld [smem:$0x3F8F]  }
0x29: {  	s4 =	sld [smem:$0x3F91]  }
0x2a: {  	p0 =	seq.s32 s5, $0x0;
	s5 =	sld [smem:$0x3F92]  }
0x2b: {  	s6 =	sld [smem:$0x3F93]  }
0x2c: {  	s7 =	sld [smem:$0x3F94]  }
0x2d: {  	s3 =	simm.s32 $0x108;
	s8 =	sld [smem:$0x3F95]  }
0x2e: {  	s3 =	simm.s32 @!p0 $0x1082;
	s9 =	sld [smem:$0x3F96]  }
0x2f: {  	lr =	sadd.s32 s0, s3;
	s0 =	sld [smem:$0x3F8D]  }
0x30: {  	s3 =	sld [smem:$0x3F90]  }
0x31: {  	[smem:$0x3F99] =	sst s10  }
0x32: {  	s10 =	sld [smem:$0x3F97];
	_ =	sdelay $0x3  }
0x33: {  	p0 =	seq.s32 s10, $0x1;
	s10 =	sld [smem:$0x3F99];
	_ =	sdelay $0x3  }
0x34: {  	[smem:$0x3F99] =	sst s10  }
0x35: {  	s10 =	sld [smem:$0x3F98];
	_ =	sdelay $0x3  }
0x36: {  	p1 =	seq.s32 s10, $0x1;
	s10 =	sld [smem:$0x3F99];
	_ =	sdelay $0x3  }
0x37: {  	[smem:$0x3F99] =	sst s10  }
0x38: {  	s10 =	sld [smem:$0x3F9A]  }
0x39: {  	_ = 	snop;
	(pc) =	sbr.ind lr, $3  }
0x3a: {  	_ = 	snop  }
0x3b: {  	_ = 	snop  }
0x3c: {  	p2 =	seq.s32 s10, $0x1;
	s10 =	sld [smem:$0x3F99]  }
0x3d: {  	_ =	shalt  }
0x3e: {  	_ =	shalt  }
0x3f: {  	_ =	shalt  }
0x40: {  	_ =	shalt  }
0x41: {  	_ =	shalt  }
0x42: {  	_ =	shalt  }
0x43: {  	_ =	shalt  }
0x44: {  	_ =	shalt  }
0x45: {  	_ =	shalt  }
0x46: {  	_ =	shalt  }
0x47: {  	_ =	shalt  }
0x48: {  	_ =	shalt  }
0x49: {  	_ =	shalt  }
0x4a: {  	_ =	shalt  }
0x4b: {  	_ =	shalt  }
0x4c: {  	_ =	shalt  }
0x4d: {  	_ =	shalt  }
0x4e: {  	_ =	shalt  }
0x4f: {  	_ =	shalt  }
0x50: {  	_ =	shalt  }
0x51: {  	_ =	shalt  }
0x52: {  	_ =	shalt  }
0x53: {  	_ =	shalt  }
0x54: {  	_ =	shalt  }
0x55: {  	_ =	shalt  }
0x56: {  	_ =	shalt  }
0x57: {  	_ =	shalt  }
0x58: {  	_ =	shalt  }
0x59: {  	_ =	shalt  }
0x5a: {  	_ =	shalt  }
0x5b: {  	_ =	shalt  }
0x5c: {  	_ =	shalt  }
0x5d: {  	_ =	shalt  }
0x5e: {  	_ =	shalt  }
0x5f: {  	_ =	shalt  }
0x60: {  	_ =	shalt  }
0x61: {  	_ =	shalt  }
0x62: {  	_ =	shalt  }
0x63: {  	_ =	shalt  }
0x64: {  	_ =	shalt  }
0x65: {  	_ =	shalt  }
0x66: {  	_ =	shalt  }
0x67: {  	_ =	shalt  }
0x68: {  	_ =	shalt  }
0x69: {  	_ =	shalt  }
0x6a: {  	_ =	shalt  }
0x6b: {  	_ =	shalt  }
0x6c: {  	_ =	shalt  }
0x6d: {  	_ =	shalt  }
0x6e: {  	_ =	shalt  }
0x6f: {  	_ =	shalt  }
0x70: {  	_ =	shalt  }
0x71: {  	_ =	shalt  }
0x72: {  	_ =	shalt  }
0x73: {  	_ =	shalt  }
0x74: {  	_ =	shalt  }
0x75: {  	_ =	shalt  }
0x76: {  	_ =	shalt  }
0x77: {  	_ =	shalt  }
0x78: {  	_ =	shalt  }
0x79: {  	_ =	shalt  }
0x7a: {  	_ =	shalt  }
0x7b: {  	_ =	shalt  }
0x7c: {  	_ =	shalt  }
0x7d: {  	_ =	shalt  }
0x7e: {  	_ =	shalt  }
0x7f: {  	_ =	shalt  }
0x80: {  	_ =	shalt  }
0x81: {  	_ =	shalt  }
0x82: {  	_ =	shalt  }
0x83: {  	_ =	shalt  }
0x84: {  	_ =	shalt  }
0x85: {  	_ =	shalt  }
0x86: {  	_ =	shalt  }
0x87: {  	_ =	shalt  }
.Lfunc_end0:
.L_simem_size_0:
called_computation_lowered:
.L_overlay_start_0:
0x88: {  	s2 =	sld [smem:$0x3FD9]  }
0x89: {  	s3 =	sld [smem:$0x3FFE];
	_ =	sdelay $0x1  }
0x8a: {  	s1 =	srdreg.scid  }
0x8b: {  	s0 =	sand.u32 $0x1, s1  }
0x8c: {  	s16 =	sshll.u32 s0, $0xA;
	s2 =	sadd.s32 s3, s2  }
0x8d: {  	s2 =	sadd.s32 s2, s16  }
0x8e: {  	[smem:$0x3FA5] =	sst s2  }
0x8f: {  	_ = 	snop  }
0x90: {  	(tm) =	ssettm $0x1  }
0x91: {  	s17 =	sld [smem:$0x3FFB];
	_ =	sdelay $0x3  }
0x92: {  	_ =	strace s17  }
0x93: {  	s2 =	sld [smem:$0x3FFC];
	_ =	sdelay $0x3  }
0x94: {  	_ =	strace s2  }
0x95: {  	s2 =	sld [smem:$0x3FFD];
	_ =	sdelay $0x3  }
0x96: {  	_ =	strace s2  }
0x97: {  	_ =	strace $0x8FFFFFFF  }
0x98: {  	s18 =	sld [smem:$0x3FDB];
	_ =	sdelay $0x1  }
0x99: {  	s19 =	simm.s32 $_scs_section_size  }
0x9a: {  	s4 =	simm.s32 $_size__tile_overlayer_lowered;
	s5 =	simm.s32 $_tile_overlayer_lowered  }
0x9b: {  	s22 =	simm.s32 $0x1BFF;
	s21 =	sshll.u32 s5, $0x1;
	s2 =	sadd.s32 s19, s18  }
0x9c: {  	s6 =	simm.s32 $0x0;
	s20 =	sshll.u32 s4, $0x1;
	s4 =	sadd.s32 s21, s2  }
0x9d: {  	[timem:s6], [sflag:s22] =	dma.local [hbm:s4], s20  }
0x9e: {  	_ =	swait.ge [sflag:s22], s20  }
0x9f: {  	s3 =	ssub.s32 $0x0, s20;
	[sflag:s22] =	ssyncset.done $0x0  }
0xa0: {  	[sflag:s22] =	ssyncadd.s32 s3;
	_ =	sdelay $0x1  }
0xa1: {  	s23 =	simm.s32 $0x1B8B  }
0xa2: {  	_ =	swait.ge [sflag:s23], $0x1  }
0xa3: {  	[sflag:s23] =	ssyncset.done $0x0  }
0xa4: {  	s25 =	simm.s32 $0x1B8E;
	s24 =	sld [smem:$0x3FFE];
	[sflag:s23] =	ssyncadd.s32 $0xFFFFFFFF  }
0xa5: {  	s26 =	simm.s32 $execute0_lowered;
	[smem:$0x3FD2] =	sst s25  }
0xa6: {  	s4 =	sshll.u32 s26, $0x1;
	_ =	strace $0x80000046;
	[dreg:$0x1] =	wrdreg $0xFFFFFFFF  }
0xa7: {  	s28 =	simm.s32 $_size_execute0_lowered;
	s2 =	sadd.s32 s2, s4;
	[dreg:$0x0] =	wrdreg $0x0  }
0xa8: {  	s4 =	sshll.u32 s28, $0x1;
	[dreg:$0x2] =	wrdreg s2  }
0xa9: {  	[dreg:$0x3] =	wrdreg s4  }
0xaa: {  	[dreg:$0x4] =	wrdreg $0xC0  }
0xab: {  	_ =	task [dreg:s6], $0x5FFFF  }
0xac: {  	[dreg:$0x1] =	wrdreg $0xFFFFFFFF  }
0xad: {  	[dreg:$0x0] =	wrdreg $0x60  }
0xae: {  	[dreg:$0x2] =	wrdreg s24  }
0xaf: {  	[dreg:$0x3] =	wrdreg $0x9  }
0xb0: {  	_ =	task.clear_ibuf [dreg:s6], $0x4FFFF;
	_ =	strace $0x90000046  }
0xb1: {  	s29 =	simm.s32 $0x9;
	_ =	strace $0x80000048  }
0xb2: {  	_ =	swait.ge [sflag:s29], $0x1  }
0xb3: {  	[sflag:s29] =	ssyncadd.s32 $0xFFFFFFFF  }
0xb4: {  	_ =	strace $0x90000048  }
0xb5: {  	_ =	sfence  }
0xb6: {  	s30 =	sld [smem:$0x0];
	_ =	sdelay $0x2  }
0xb7: {  	s31 =	sshll.u32 s1, $0xD;
	s1 =	sshrl.u32 s1, $0x2  }
0xb8: {  	s3 =	sand.u32 $0x4000, s31;
	s1 =	sadd.s32 s1, s30  }
0xb9: {  	s0 =	sor.u32 s3, s0;
	s1 =	sshll.u32 s1, $0x11  }
0xba: {  	s0 =	sor.u32 s1, s0  }
0xbb: {  	s0 =	sadd.s32 $0x8F2B, s0  }
0xbc: {  	[sflag:s0] =	ssyncadd.remote.s32 $0x1  }
0xbd: {  	_ =	sfence.sel $0xFFFF  }
0xbe: {  	[dreg:$0x0] =	wrdreg $0xFFFFFFFF;
	(pc) =	sbr.abs _section_cstart, $3  }
0xbf: {  	[dreg:$0x1] =	wrdreg $0xFFFFFFFF  }
0xc0: {  	_ =	task.clear_ibuf [dreg:s6], $0x2FFFF;
	_ =	strace $0x9FFFFFFF  }
0xc1: {  	(tm) =	ssettm $0x7FFFFFFF  }
tec
execute0_lowered:
.L_overlay_start_1:
0x0: {  	(tag) =	ssettag $0x1  }
0x1: {  	s0 =	srdreg.scid  }
0x2: {  	s7 =	stileid.u32;
	s5 =	rddreg [dreg:$0x0]  }
0x3: {  	s2 =	simm.s32 $0x0;
	s12 =	simm.s32 $0x2;
	s13 =	simm.s32 $0x80  }
0x4: {  	s14 =	simm.s32 $0x7180;
	s15 =	simm.s32 $0x9180;
	s16 =	simm.s32 $0xB180  }
0x5: {  	s17 =	simm.s32 $0xD180;
	s18 =	simm.s32 $0xF180;
	s19 =	simm.s32 $0x11180  }
0x6: {  	s20 =	simm.s32 $0x13180;
	s21 =	simm.s32 $0x15180;
	s22 =	simm.s32 $0x17180  }
0x7: {  	s23 =	simm.s32 $0x19180;
	s24 =	simm.s32 $0x1;
	s25 =	simm.s32 $0x6400  }
0x8: {  	s0 =	sand.u32 $0x1, s0;
	s1 =	sshll.u32 s7, $0x1;
	s7 =	smul.u32 $0x64000, s7  }
0x9: {  	s1 =	sor.u32 s0, s1;
	s9 =	ssub.s32 $0x2, s0;
	s0 =	smul.u32 $0x32000, s0  }
0xa: {  	s31 =	simm.s32 $0x7100;
	[smem:$0x7FF] =	sst s2;
	s3 =	smul.u32 $0x6400, s1  }
0xb: {  	_ =	strace $0x80000047;
	s6 =	smul.u32 $0x1B0, s1;
	s29 =	sshrl.u32 s9, $0x1  }
0xc: {  	s1 =	smul.u32 $0x6C00, s1;
	s11 =	sadd.s32 s7, s5;
	s30 =	ssub.s32 s9, s29  }
0xd: {  	s0 =	sadd.s32 s0, s11;
	s4 =	sshrl.u32 s3, $0x3;
	s3 =	sadd.s32 $0x189A00, s5  }
0xe: {  	s6 =	sadd.s32 s6, s5;
	s1 =	sadd.s32 s1, s5;
	s11 =	sadd.s32 $0x325000, s0  }
0xf: {  	s8 =	sadd.s32 s4, s5;
	s4 =	sadd.s32 $0x1BE00, s5;
	s6 =	sadd.s32 $0xDF400, s6  }
0x10: {  	s7 =	smax.u32 s30, $0x1;
	s9 =	sadd.s32 $0x24F400, s1;
	s10 =	sadd.s32 $0x251800, s1  }
0x11: {  	s5 =	sadd.s32 $0x2E00, s8;
	s8 =	sadd.s32 $0x24D000, s1;
	s1 =	simm.s32 $0x0  }
.LBB2_1:
0x12: {  	[tilespmem:s2], [sflag:$0x2] =	stream.linear.gather [hbm4b:s5+s2], $0x6400, $0x38;
	[tilespmem:$0x1B180] =	vst v63  }
0x13: {  	_ =	swait.ge [sflag:s12], $0x6400  }
0x14: {  	[sflag:s12] =	ssyncset.done $0x0  }
0x15: {  	s0 =	simm.s32 $0x0;
	[sflag:s12] =	ssyncadd.s32 $0xFFFF9C00  }
0x16: {  	[tilespmem:s14], [sflag:$0x1] =	stream.indirect.gather [hbm4b:s3+s13], $0x40, s0, s13, $0xb8;
	[tilespmem:$0x1B180] =	vst v63  }
0x17: {  	s26 =	simm.s32 $0x80  }
0x18: {  	[tilespmem:s15], [sflag:$0x1] =	stream.indirect.gather [hbm4b:s3+s13], $0x40, s26, s13, $0xb8;
	[tilespmem:$0x1B180] =	vst v63  }
0x19: {  	s29 =	simm.s32 $0x100  }
0x1a: {  	[tilespmem:s16], [sflag:$0x1] =	stream.indirect.gather [hbm4b:s3+s13], $0x40, s29, s13, $0xb8;
	[tilespmem:$0x1B180] =	vst v63  }
0x1b: {  	s30 =	simm.s32 $0x180  }
0x1c: {  	[tilespmem:s17], [sflag:$0x1] =	stream.indirect.gather [hbm4b:s3+s13], $0x40, s30, s13, $0xb8;
	[tilespmem:$0x1B180] =	vst v63  }
0x1d: {  	s26 =	simm.s32 $0x200  }
0x1e: {  	[tilespmem:s18], [sflag:$0x1] =	stream.indirect.gather [hbm4b:s3+s13], $0x40, s26, s13, $0xb8;
	[tilespmem:$0x1B180] =	vst v63  }
0x1f: {  	s29 =	simm.s32 $0x280  }
0x20: {  	[tilespmem:s19], [sflag:$0x1] =	stream.indirect.gather [hbm4b:s3+s13], $0x40, s29, s13, $0xb8;
	[tilespmem:$0x1B180] =	vst v63  }
0x21: {  	s30 =	simm.s32 $0x300  }
0x22: {  	[tilespmem:s20], [sflag:$0x1] =	stream.indirect.gather [hbm4b:s3+s13], $0x40, s30, s13, $0xb8;
	[tilespmem:$0x1B180] =	vst v63  }
0x23: {  	s26 =	simm.s32 $0x380  }
0x24: {  	[tilespmem:s21], [sflag:$0x1] =	stream.indirect.gather [hbm4b:s3+s13], $0x40, s26, s13, $0xb8;
	[tilespmem:$0x1B180] =	vst v63  }
0x25: {  	s29 =	simm.s32 $0x400  }
0x26: {  	[tilespmem:s22], [sflag:$0x1] =	stream.indirect.gather [hbm4b:s3+s13], $0x40, s29, s13, $0xb8;
	[tilespmem:$0x1B180] =	vst v63  }
0x27: {  	s30 =	simm.s32 $0x480  }
0x28: {  	[tilespmem:s23], [sflag:$0x1] =	stream.indirect.gather [hbm4b:s3+s13], $0x40, s30, s13, $0xb8;
	[tilespmem:$0x1B180] =	vst v63  }
0x29: {  	_ =	swait.ge [sflag:s24], $0x2000  }
0x2a: {  	[sflag:s24] =	ssyncset.done $0x0  }
0x2b: {  	[sflag:s24] =	ssyncadd.s32 $0xFFFFE000  }
0x2c: {  	_ =	swait.ge [sflag:s24], $0x2000  }
0x2d: {  	[sflag:s24] =	ssyncset.done $0x0  }
0x2e: {  	[sflag:s24] =	ssyncadd.s32 $0xFFFFE000  }
0x2f: {  	_ =	swait.ge [sflag:s24], $0x2000  }
0x30: {  	[sflag:s24] =	ssyncset.done $0x0  }
0x31: {  	[sflag:s24] =	ssyncadd.s32 $0xFFFFE000  }
0x32: {  	_ =	swait.ge [sflag:s24], $0x2000  }
0x33: {  	[sflag:s24] =	ssyncset.done $0x0  }
0x34: {  	[sflag:s24] =	ssyncadd.s32 $0xFFFFE000  }
0x35: {  	_ =	swait.ge [sflag:s24], $0x2000  }
0x36: {  	[sflag:s24] =	ssyncset.done $0x0  }
0x37: {  	[sflag:s24] =	ssyncadd.s32 $0xFFFFE000  }
0x38: {  	_ =	swait.ge [sflag:s24], $0x2000  }
0x39: {  	[sflag:s24] =	ssyncset.done $0x0  }
0x3a: {  	[sflag:s24] =	ssyncadd.s32 $0xFFFFE000  }
0x3b: {  	_ =	swait.ge [sflag:s24], $0x2000  }
0x3c: {  	[sflag:s24] =	ssyncset.done $0x0  }
0x3d: {  	[sflag:s24] =	ssyncadd.s32 $0xFFFFE000  }
0x3e: {  	_ =	swait.ge [sflag:s24], $0x2000  }
0x3f: {  	[sflag:s24] =	ssyncset.done $0x0  }
0x40: {  	[sflag:s24] =	ssyncadd.s32 $0xFFFFE000  }
0x41: {  	_ =	swait.ge [sflag:s24], $0x2000  }
0x42: {  	[sflag:s24] =	ssyncset.done $0x0  }
0x43: {  	[sflag:s24] =	ssyncadd.s32 $0xFFFFE000  }
0x44: {  	_ =	swait.ge [sflag:s24], $0x2000  }
0x45: {  	[sflag:s24] =	ssyncset.done $0x0  }
0x46: {  	[sflag:s24] =	ssyncadd.s32 $0xFFFFE000  }
0x47: {  	[hbm4b:s11+s2] =	stream.linear.scatter [tilespmem:s14], [sflag:$0x2], $0x14000, $0x38;
	[tilespmem:$0x1B180] =	vst v63  }
0x48: {  	s28 =	simm.s32 $0x2800;
	_ =	swait.ge [sflag:s12], $0x14000  }
0x49: {  	s0 =	sadd.s32 $0x2800, s11;
	s26 =	simm.s32 $0x1400;
	[sflag:s12] =	ssyncset.done $0x0  }
.LBB2_2:
0x4a: {  	s30 =	sshra.s32 s26, $0x2  }
0x4b: {  	[sflag:s12] =	ssyncadd.s32 $0xFFFEC000;
	s26 =	smov.u32 s28;
	s29 =	sadd.s32 $0x1400, s28  }
0x4c: {  	[tilespmem:s14], [sflag:$0x1] =	stream.indirect.gather [hbm4b:s3+s13], $0x40, s30, s13, $0xb8;
	[tilespmem:$0x1B180] =	vst v63  }
0x4d: {  	p0 =	sne.s32 s28, $0x17C00;
	s28 =	sadd.s32 $0x80, s30  }
0x4e: {  	[tilespmem:s15], [sflag:$0x1] =	stream.indirect.gather [hbm4b:s3+s13], $0x40, s28, s13, $0xb8;
	[tilespmem:$0x1B180] =	vst v63  }
0x4f: {  	s28 =	sadd.s32 $0x100, s30  }
0x50: {  	[tilespmem:s16], [sflag:$0x1] =	stream.indirect.gather [hbm4b:s3+s13], $0x40, s28, s13, $0xb8;
	[tilespmem:$0x1B180] =	vst v63  }
0x51: {  	s28 =	sadd.s32 $0x180, s30  }
0x52: {  	[tilespmem:s17], [sflag:$0x1] =	stream.indirect.gather [hbm4b:s3+s13], $0x40, s28, s13, $0xb8;
	[tilespmem:$0x1B180] =	vst v63  }
0x53: {  	s28 =	sadd.s32 $0x200, s30  }
0x54: {  	[tilespmem:s18], [sflag:$0x1] =	stream.indirect.gather [hbm4b:s3+s13], $0x40, s28, s13, $0xb8;
	[tilespmem:$0x1B180] =	vst v63  }
0x55: {  	s28 =	sadd.s32 $0x280, s30  }
0x56: {  	[tilespmem:s19], [sflag:$0x1] =	stream.indirect.gather [hbm4b:s3+s13], $0x40, s28, s13, $0xb8;
	[tilespmem:$0x1B180] =	vst v63  }
0x57: {  	s28 =	sadd.s32 $0x300, s30  }
0x58: {  	[tilespmem:s20], [sflag:$0x1] =	stream.indirect.gather [hbm4b:s3+s13], $0x40, s28, s13, $0xb8;
	[tilespmem:$0x1B180] =	vst v63  }
0x59: {  	s28 =	sadd.s32 $0x380, s30  }
0x5a: {  	[tilespmem:s21], [sflag:$0x1] =	stream.indirect.gather [hbm4b:s3+s13], $0x40, s28, s13, $0xb8;
	[tilespmem:$0x1B180] =	vst v63  }
0x5b: {  	s28 =	sadd.s32 $0x400, s30  }
0x5c: {  	[tilespmem:s22], [sflag:$0x1] =	stream.indirect.gather [hbm4b:s3+s13], $0x40, s28, s13, $0xb8;
	[tilespmem:$0x1B180] =	vst v63  }
0x5d: {  	s28 =	sadd.s32 $0x480, s30  }
0x5e: {  	[tilespmem:s23], [sflag:$0x1] =	stream.indirect.gather [hbm4b:s3+s13], $0x40, s28, s13, $0xb8;
	[tilespmem:$0x1B180] =	vst v63  }
0x5f: {  	_ =	swait.ge [sflag:s24], $0x2000  }
0x60: {  	[sflag:s24] =	ssyncset.done $0x0  }
0x61: {  	[sflag:s24] =	ssyncadd.s32 $0xFFFFE000  }
0x62: {  	_ =	swait.ge [sflag:s24], $0x2000  }
0x63: {  	[sflag:s24] =	ssyncset.done $0x0  }
0x64: {  	[sflag:s24] =	ssyncadd.s32 $0xFFFFE000  }
0x65: {  	_ =	swait.ge [sflag:s24], $0x2000  }
0x66: {  	[sflag:s24] =	ssyncset.done $0x0  }
0x67: {  	[sflag:s24] =	ssyncadd.s32 $0xFFFFE000  }
0x68: {  	_ =	swait.ge [sflag:s24], $0x2000  }
0x69: {  	[sflag:s24] =	ssyncset.done $0x0  }
0x6a: {  	[sflag:s24] =	ssyncadd.s32 $0xFFFFE000  }
0x6b: {  	_ =	swait.ge [sflag:s24], $0x2000  }
0x6c: {  	[sflag:s24] =	ssyncset.done $0x0  }
0x6d: {  	[sflag:s24] =	ssyncadd.s32 $0xFFFFE000  }
0x6e: {  	_ =	swait.ge [sflag:s24], $0x2000  }
0x6f: {  	[sflag:s24] =	ssyncset.done $0x0  }
0x70: {  	[sflag:s24] =	ssyncadd.s32 $0xFFFFE000  }
0x71: {  	_ =	swait.ge [sflag:s24], $0x2000  }
0x72: {  	[sflag:s24] =	ssyncset.done $0x0  }
0x73: {  	[sflag:s24] =	ssyncadd.s32 $0xFFFFE000  }
0x74: {  	_ =	swait.ge [sflag:s24], $0x2000  }
0x75: {  	[sflag:s24] =	ssyncset.done $0x0  }
0x76: {  	[sflag:s24] =	ssyncadd.s32 $0xFFFFE000  }
0x77: {  	_ =	swait.ge [sflag:s24], $0x2000  }
0x78: {  	[sflag:s24] =	ssyncset.done $0x0  }
0x79: {  	[sflag:s24] =	ssyncadd.s32 $0xFFFFE000  }
0x7a: {  	_ =	swait.ge [sflag:s24], $0x2000  }
.Ltmp0:
0x7b: {  	[sflag:s24] =	ssyncset.done $0x0;
	(pc) =	sbr.rel @p0 .LBB2_2-.Ltmp0, $4  }
0x7c: {  	[sflag:s24] =	ssyncadd.s32 $0xFFFFE000  }
0x7d: {  	[hbm4b:s0+s2] =	stream.linear.scatter [tilespmem:s14], [sflag:$0x2], $0x14000, $0x38;
	[tilespmem:$0x1B180] =	vst v63  }
0x7e: {  	_ =	swait.ge [sflag:s12], $0x14000  }
0x7f: {  	s28 =	smov.u32 s29;
	s0 =	sadd.s32 $0x2800, s0;
	[sflag:s12] =	ssyncset.done $0x0  }
0x80: {  	s26 =	sshra.s32 s26, $0x2;
	[sflag:s12] =	ssyncadd.s32 $0xFFFEC000  }
0x81: {  	[tilespmem:s14], [sflag:$0x1] =	stream.indirect.gather [hbm4b:s3+s13], $0x40, s26, s13, $0xb8;
	[tilespmem:$0x1B180] =	vst v63  }
0x82: {  	s28 =	sadd.s32 $0x80, s26  }
0x83: {  	[tilespmem:s15], [sflag:$0x1] =	stream.indirect.gather [hbm4b:s3+s13], $0x40, s28, s13, $0xb8;
	[tilespmem:$0x1B180] =	vst v63  }
0x84: {  	s29 =	sadd.s32 $0x100, s26  }
0x85: {  	[tilespmem:s16], [sflag:$0x1] =	stream.indirect.gather [hbm4b:s3+s13], $0x40, s29, s13, $0xb8;
	[tilespmem:$0x1B180] =	vst v63  }
0x86: {  	s30 =	sadd.s32 $0x180, s26  }
0x87: {  	[tilespmem:s17], [sflag:$0x1] =	stream.indirect.gather [hbm4b:s3+s13], $0x40, s30, s13, $0xb8;
	[tilespmem:$0x1B180] =	vst v63  }
0x88: {  	s29 =	sadd.s32 $0x200, s26  }
0x89: {  	[tilespmem:s18], [sflag:$0x1] =	stream.indirect.gather [hbm4b:s3+s13], $0x40, s29, s13, $0xb8;
	[tilespmem:$0x1B180] =	vst v63  }
0x8a: {  	s30 =	sadd.s32 $0x280, s26  }
0x8b: {  	[tilespmem:s19], [sflag:$0x1] =	stream.indirect.gather [hbm4b:s3+s13], $0x40, s30, s13, $0xb8;
	[tilespmem:$0x1B180] =	vst v63  }
0x8c: {  	s29 =	sadd.s32 $0x300, s26  }
0x8d: {  	[tilespmem:s20], [sflag:$0x1] =	stream.indirect.gather [hbm4b:s3+s13], $0x40, s29, s13, $0xb8;
	[tilespmem:$0x1B180] =	vst v63  }
0x8e: {  	s30 =	sadd.s32 $0x380, s26  }
0x8f: {  	[tilespmem:s21], [sflag:$0x1] =	stream.indirect.gather [hbm4b:s3+s13], $0x40, s30, s13, $0xb8;
	[tilespmem:$0x1B180] =	vst v63  }
0x90: {  	s29 =	sadd.s32 $0x400, s26  }
0x91: {  	[tilespmem:s22], [sflag:$0x1] =	stream.indirect.gather [hbm4b:s3+s13], $0x40, s29, s13, $0xb8;
	[tilespmem:$0x1B180] =	vst v63  }
0x92: {  	s26 =	sadd.s32 $0x480, s26  }
0x93: {  	[tilespmem:s23], [sflag:$0x1] =	stream.indirect.gather [hbm4b:s3+s13], $0x40, s26, s13, $0xb8;
	[tilespmem:$0x1B180] =	vst v63  }
0x94: {  	_ =	swait.ge [sflag:s24], $0x2000  }
0x95: {  	[sflag:s24] =	ssyncset.done $0x0  }
0x96: {  	[sflag:s24] =	ssyncadd.s32 $0xFFFFE000  }
0x97: {  	_ =	swait.ge [sflag:s24], $0x2000  }
0x98: {  	[sflag:s24] =	ssyncset.done $0x0  }
0x99: {  	[sflag:s24] =	ssyncadd.s32 $0xFFFFE000  }
0x9a: {  	_ =	swait.ge [sflag:s24], $0x2000  }
0x9b: {  	[sflag:s24] =	ssyncset.done $0x0  }
0x9c: {  	[sflag:s24] =	ssyncadd.s32 $0xFFFFE000  }
0x9d: {  	_ =	swait.ge [sflag:s24], $0x2000  }
0x9e: {  	[sflag:s24] =	ssyncset.done $0x0  }
0x9f: {  	[sflag:s24] =	ssyncadd.s32 $0xFFFFE000  }
0xa0: {  	_ =	swait.ge [sflag:s24], $0x2000  }
0xa1: {  	[sflag:s24] =	ssyncset.done $0x0  }
0xa2: {  	[sflag:s24] =	ssyncadd.s32 $0xFFFFE000  }
0xa3: {  	_ =	swait.ge [sflag:s24], $0x2000  }
0xa4: {  	[sflag:s24] =	ssyncset.done $0x0  }
0xa5: {  	[sflag:s24] =	ssyncadd.s32 $0xFFFFE000  }
0xa6: {  	_ =	swait.ge [sflag:s24], $0x2000  }
0xa7: {  	[sflag:s24] =	ssyncset.done $0x0  }
0xa8: {  	[sflag:s24] =	ssyncadd.s32 $0xFFFFE000  }
0xa9: {  	_ =	swait.ge [sflag:s24], $0x2000  }
0xaa: {  	[sflag:s24] =	ssyncset.done $0x0  }
0xab: {  	[sflag:s24] =	ssyncadd.s32 $0xFFFFE000  }
0xac: {  	_ =	swait.ge [sflag:s24], $0x2000  }
0xad: {  	[sflag:s24] =	ssyncset.done $0x0  }
0xae: {  	[sflag:s24] =	ssyncadd.s32 $0xFFFFE000  }
0xaf: {  	_ =	swait.ge [sflag:s24], $0x2000  }
0xb0: {  	[sflag:s24] =	ssyncset.done $0x0  }
0xb1: {  	[sflag:s24] =	ssyncadd.s32 $0xFFFFE000  }
0xb2: {  	[hbm4b:s0+s2] =	stream.linear.scatter [tilespmem:s14], [sflag:$0x2], $0x14000, $0x38;
	[tilespmem:$0x1B180] =	vst v63  }
0xb3: {  	_ =	swait.ge [sflag:s12], $0x14000  }
0xb4: {  	[sflag:s12] =	ssyncset.done $0x0  }
0xb5: {  	[sflag:s12] =	ssyncadd.s32 $0xFFFEC000  }
0xb6: {  	[tilespmem:s25], [sflag:$0x2] =	stream.linear.gather [hbm4b:s6+s2], $0xD80, $0x38;
	[tilespmem:$0x1B180] =	vst v63  }
0xb7: {  	_ =	swait.ge [sflag:s12], $0xD80  }
0xb8: {  	[sflag:s12] =	ssyncset.done $0x0  }
0xb9: {  	[sflag:s12] =	ssyncadd.s32 $0xFFFFF280  }
0xba: {  	[tilespmem:s14], [sflag:$0x1] =	stream.indirect.gather [hbm4b:s4+s13], $0x40, s25, s13, $0xb8;
	[tilespmem:$0x1B180] =	vst v63  }
0xbb: {  	s30 =	simm.s32 $0x6480  }
0xbc: {  	[tilespmem:s15], [sflag:$0x1] =	stream.indirect.gather [hbm4b:s4+s13], $0x40, s30, s13, $0xb8;
	[tilespmem:$0x1B180] =	vst v63  }
0xbd: {  	s26 =	simm.s32 $0x6500  }
0xbe: {  	[tilespmem:s16], [sflag:$0x1] =	stream.indirect.gather [hbm4b:s4+s13], $0x40, s26, s13, $0xb8;
	[tilespmem:$0x1B180] =	vst v63  }
0xbf: {  	s28 =	simm.s32 $0x6580  }
0xc0: {  	[tilespmem:s17], [sflag:$0x1] =	stream.indirect.gather [hbm4b:s4+s13], $0x40, s28, s13, $0xb8;
	[tilespmem:$0x1B180] =	vst v63  }
0xc1: {  	s29 =	simm.s32 $0x6600  }
0xc2: {  	[tilespmem:s18], [sflag:$0x1] =	stream.indirect.gather [hbm4b:s4+s13], $0x40, s29, s13, $0xb8;
	[tilespmem:$0x1B180] =	vst v63  }
0xc3: {  	s30 =	simm.s32 $0x6680  }
0xc4: {  	[tilespmem:s19], [sflag:$0x1] =	stream.indirect.gather [hbm4b:s4+s13], $0x40, s30, s13, $0xb8;
	[tilespmem:$0x1B180] =	vst v63  }
0xc5: {  	s26 =	simm.s32 $0x6700  }
0xc6: {  	[tilespmem:s20], [sflag:$0x1] =	stream.indirect.gather [hbm4b:s4+s13], $0x40, s26, s13, $0xb8;
	[tilespmem:$0x1B180] =	vst v63  }
0xc7: {  	s28 =	simm.s32 $0x6780  }
0xc8: {  	[tilespmem:s21], [sflag:$0x1] =	stream.indirect.gather [hbm4b:s4+s13], $0x40, s28, s13, $0xb8;
	[tilespmem:$0x1B180] =	vst v63  }
0xc9: {  	s29 =	simm.s32 $0x6800  }
0xca: {  	[tilespmem:s22], [sflag:$0x1] =	stream.indirect.gather [hbm4b:s4+s13], $0x40, s29, s13, $0xb8;
	[tilespmem:$0x1B180] =	vst v63  }
0xcb: {  	_ =	swait.ge [sflag:s24], $0x2000  }
0xcc: {  	[sflag:s24] =	ssyncset.done $0x0  }
0xcd: {  	[sflag:s24] =	ssyncadd.s32 $0xFFFFE000  }
0xce: {  	_ =	swait.ge [sflag:s24], $0x2000  }
0xcf: {  	[sflag:s24] =	ssyncset.done $0x0  }
0xd0: {  	[sflag:s24] =	ssyncadd.s32 $0xFFFFE000  }
0xd1: {  	_ =	swait.ge [sflag:s24], $0x2000  }
0xd2: {  	[sflag:s24] =	ssyncset.done $0x0  }
0xd3: {  	[sflag:s24] =	ssyncadd.s32 $0xFFFFE000  }
0xd4: {  	_ =	swait.ge [sflag:s24], $0x2000  }
0xd5: {  	[sflag:s24] =	ssyncset.done $0x0  }
0xd6: {  	[sflag:s24] =	ssyncadd.s32 $0xFFFFE000  }
0xd7: {  	_ =	swait.ge [sflag:s24], $0x2000  }
0xd8: {  	[sflag:s24] =	ssyncset.done $0x0  }
0xd9: {  	[sflag:s24] =	ssyncadd.s32 $0xFFFFE000  }
0xda: {  	_ =	swait.ge [sflag:s24], $0x2000  }
0xdb: {  	[sflag:s24] =	ssyncset.done $0x0  }
0xdc: {  	[sflag:s24] =	ssyncadd.s32 $0xFFFFE000  }
0xdd: {  	_ =	swait.ge [sflag:s24], $0x2000  }
0xde: {  	[sflag:s24] =	ssyncset.done $0x0  }
0xdf: {  	[sflag:s24] =	ssyncadd.s32 $0xFFFFE000  }
0xe0: {  	_ =	swait.ge [sflag:s24], $0x2000  }
0xe1: {  	[sflag:s24] =	ssyncset.done $0x0  }
0xe2: {  	[sflag:s24] =	ssyncadd.s32 $0xFFFFE000  }
0xe3: {  	_ =	swait.ge [sflag:s24], $0x2000  }
0xe4: {  	[sflag:s24] =	ssyncset.done $0x0  }
0xe5: {  	[sflag:s24] =	ssyncadd.s32 $0xFFFFE000  }
0xe6: {  	[hbm4b:s8+s2] =	stream.linear.scatter [tilespmem:s14], [sflag:$0x2], $0x12000, $0x38;
	[tilespmem:$0x1B180] =	vst v63  }
0xe7: {  	_ =	swait.ge [sflag:s12], $0x12000  }
0xe8: {  	[sflag:s12] =	ssyncset.done $0x0  }
0xe9: {  	s30 =	simm.s32 $0x6880;
	[sflag:s12] =	ssyncadd.s32 $0xFFFEE000  }
0xea: {  	[tilespmem:s14], [sflag:$0x1] =	stream.indirect.gather [hbm4b:s4+s13], $0x40, s30, s13, $0xb8;
	[tilespmem:$0x1B180] =	vst v63  }
0xeb: {  	s26 =	simm.s32 $0x6900  }
0xec: {  	[tilespmem:s15], [sflag:$0x1] =	stream.indirect.gather [hbm4b:s4+s13], $0x40, s26, s13, $0xb8;
	[tilespmem:$0x1B180] =	vst v63  }
0xed: {  	s28 =	simm.s32 $0x6980  }
0xee: {  	[tilespmem:s16], [sflag:$0x1] =	stream.indirect.gather [hbm4b:s4+s13], $0x40, s28, s13, $0xb8;
	[tilespmem:$0x1B180] =	vst v63  }
0xef: {  	s29 =	simm.s32 $0x6A00  }
0xf0: {  	[tilespmem:s17], [sflag:$0x1] =	stream.indirect.gather [hbm4b:s4+s13], $0x40, s29, s13, $0xb8;
	[tilespmem:$0x1B180] =	vst v63  }
0xf1: {  	s30 =	simm.s32 $0x6A80  }
0xf2: {  	[tilespmem:s18], [sflag:$0x1] =	stream.indirect.gather [hbm4b:s4+s13], $0x40, s30, s13, $0xb8;
	[tilespmem:$0x1B180] =	vst v63  }
0xf3: {  	s26 =	simm.s32 $0x6B00  }
0xf4: {  	[tilespmem:s19], [sflag:$0x1] =	stream.indirect.gather [hbm4b:s4+s13], $0x40, s26, s13, $0xb8;
	[tilespmem:$0x1B180] =	vst v63  }
0xf5: {  	s28 =	simm.s32 $0x6B80  }
0xf6: {  	[tilespmem:s20], [sflag:$0x1] =	stream.indirect.gather [hbm4b:s4+s13], $0x40, s28, s13, $0xb8;
	[tilespmem:$0x1B180] =	vst v63  }
0xf7: {  	s29 =	simm.s32 $0x6C00  }
0xf8: {  	[tilespmem:s21], [sflag:$0x1] =	stream.indirect.gather [hbm4b:s4+s13], $0x40, s29, s13, $0xb8;
	[tilespmem:$0x1B180] =	vst v63  }
0xf9: {  	s30 =	simm.s32 $0x6C80  }
0xfa: {  	[tilespmem:s22], [sflag:$0x1] =	stream.indirect.gather [hbm4b:s4+s13], $0x40, s30, s13, $0xb8;
	[tilespmem:$0x1B180] =	vst v63  }
0xfb: {  	_ =	swait.ge [sflag:s24], $0x2000  }
0xfc: {  	[sflag:s24] =	ssyncset.done $0x0  }
0xfd: {  	[sflag:s24] =	ssyncadd.s32 $0xFFFFE000  }
0xfe: {  	_ =	swait.ge [sflag:s24], $0x2000  }
0xff: {  	[sflag:s24] =	ssyncset.done $0x0  }
0x100: {  	[sflag:s24] =	ssyncadd.s32 $0xFFFFE000  }
0x101: {  	_ =	swait.ge [sflag:s24], $0x2000  }
0x102: {  	[sflag:s24] =	ssyncset.done $0x0  }
0x103: {  	[sflag:s24] =	ssyncadd.s32 $0xFFFFE000  }
0x104: {  	_ =	swait.ge [sflag:s24], $0x2000  }
0x105: {  	[sflag:s24] =	ssyncset.done $0x0  }
0x106: {  	[sflag:s24] =	ssyncadd.s32 $0xFFFFE000  }
0x107: {  	_ =	swait.ge [sflag:s24], $0x2000  }
0x108: {  	[sflag:s24] =	ssyncset.done $0x0  }
0x109: {  	[sflag:s24] =	ssyncadd.s32 $0xFFFFE000  }
0x10a: {  	_ =	swait.ge [sflag:s24], $0x2000  }
0x10b: {  	[sflag:s24] =	ssyncset.done $0x0  }
0x10c: {  	[sflag:s24] =	ssyncadd.s32 $0xFFFFE000  }
0x10d: {  	_ =	swait.ge [sflag:s24], $0x2000  }
0x10e: {  	[sflag:s24] =	ssyncset.done $0x0  }
0x10f: {  	[sflag:s24] =	ssyncadd.s32 $0xFFFFE000  }
0x110: {  	_ =	swait.ge [sflag:s24], $0x2000  }
0x111: {  	[sflag:s24] =	ssyncset.done $0x0  }
0x112: {  	[sflag:s24] =	ssyncadd.s32 $0xFFFFE000  }
0x113: {  	_ =	swait.ge [sflag:s24], $0x2000  }
0x114: {  	[sflag:s24] =	ssyncset.done $0x0  }
0x115: {  	[sflag:s24] =	ssyncadd.s32 $0xFFFFE000  }
0x116: {  	[hbm4b:s9+s2] =	stream.linear.scatter [tilespmem:s14], [sflag:$0x2], $0x12000, $0x38;
	[tilespmem:$0x1B180] =	vst v63  }
0x117: {  	_ =	swait.ge [sflag:s12], $0x12000  }
0x118: {  	[sflag:s12] =	ssyncset.done $0x0  }
0x119: {  	s26 =	simm.s32 $0x6D00;
	[sflag:s12] =	ssyncadd.s32 $0xFFFEE000  }
0x11a: {  	[tilespmem:s14], [sflag:$0x1] =	stream.indirect.gather [hbm4b:s4+s13], $0x40, s26, s13, $0xb8;
	[tilespmem:$0x1B180] =	vst v63  }
0x11b: {  	s28 =	simm.s32 $0x6D80  }
0x11c: {  	[tilespmem:s15], [sflag:$0x1] =	stream.indirect.gather [hbm4b:s4+s13], $0x40, s28, s13, $0xb8;
	[tilespmem:$0x1B180] =	vst v63  }
0x11d: {  	s29 =	simm.s32 $0x6E00  }
0x11e: {  	[tilespmem:s16], [sflag:$0x1] =	stream.indirect.gather [hbm4b:s4+s13], $0x40, s29, s13, $0xb8;
	[tilespmem:$0x1B180] =	vst v63  }
0x11f: {  	s30 =	simm.s32 $0x6E80  }
0x120: {  	[tilespmem:s17], [sflag:$0x1] =	stream.indirect.gather [hbm4b:s4+s13], $0x40, s30, s13, $0xb8;
	[tilespmem:$0x1B180] =	vst v63  }
0x121: {  	s26 =	simm.s32 $0x6F00  }
0x122: {  	[tilespmem:s18], [sflag:$0x1] =	stream.indirect.gather [hbm4b:s4+s13], $0x40, s26, s13, $0xb8;
	[tilespmem:$0x1B180] =	vst v63  }
0x123: {  	s28 =	simm.s32 $0x6F80  }
0x124: {  	[tilespmem:s19], [sflag:$0x1] =	stream.indirect.gather [hbm4b:s4+s13], $0x40, s28, s13, $0xb8;
	[tilespmem:$0x1B180] =	vst v63  }
0x125: {  	s29 =	simm.s32 $0x7000  }
0x126: {  	[tilespmem:s20], [sflag:$0x1] =	stream.indirect.gather [hbm4b:s4+s13], $0x40, s29, s13, $0xb8;
	[tilespmem:$0x1B180] =	vst v63  }
0x127: {  	s30 =	simm.s32 $0x7080  }
0x128: {  	[tilespmem:s21], [sflag:$0x1] =	stream.indirect.gather [hbm4b:s4+s13], $0x40, s30, s13, $0xb8;
	[tilespmem:$0x1B180] =	vst v63  }
0x129: {  	_ = 	snop  }
0x12a: {  	[tilespmem:s22], [sflag:$0x1] =	stream.indirect.gather [hbm4b:s4+s13], $0x40, s31, s13, $0xb8;
	[tilespmem:$0x1B180] =	vst v63  }
0x12b: {  	_ =	swait.ge [sflag:s24], $0x2000  }
0x12c: {  	[sflag:s24] =	ssyncset.done $0x0  }
0x12d: {  	[sflag:s24] =	ssyncadd.s32 $0xFFFFE000  }
0x12e: {  	_ =	swait.ge [sflag:s24], $0x2000  }
0x12f: {  	[sflag:s24] =	ssyncset.done $0x0  }
0x130: {  	[sflag:s24] =	ssyncadd.s32 $0xFFFFE000  }
0x131: {  	_ =	swait.ge [sflag:s24], $0x2000  }
0x132: {  	[sflag:s24] =	ssyncset.done $0x0  }
0x133: {  	[sflag:s24] =	ssyncadd.s32 $0xFFFFE000  }
0x134: {  	_ =	swait.ge [sflag:s24], $0x2000  }
0x135: {  	[sflag:s24] =	ssyncset.done $0x0  }
0x136: {  	[sflag:s24] =	ssyncadd.s32 $0xFFFFE000  }
0x137: {  	_ =	swait.ge [sflag:s24], $0x2000  }
0x138: {  	[sflag:s24] =	ssyncset.done $0x0  }
0x139: {  	[sflag:s24] =	ssyncadd.s32 $0xFFFFE000  }
0x13a: {  	_ =	swait.ge [sflag:s24], $0x2000  }
0x13b: {  	[sflag:s24] =	ssyncset.done $0x0  }
0x13c: {  	[sflag:s24] =	ssyncadd.s32 $0xFFFFE000  }
0x13d: {  	_ =	swait.ge [sflag:s24], $0x2000  }
0x13e: {  	[sflag:s24] =	ssyncset.done $0x0  }
0x13f: {  	[sflag:s24] =	ssyncadd.s32 $0xFFFFE000  }
0x140: {  	_ =	swait.ge [sflag:s24], $0x2000  }
0x141: {  	[sflag:s24] =	ssyncset.done $0x0  }
0x142: {  	[sflag:s24] =	ssyncadd.s32 $0xFFFFE000  }
0x143: {  	s1 =	sadd.s32 $0x1, s1;
	_ =	swait.ge [sflag:s24], $0x2000  }
0x144: {  	p0 =	sne.s32 s1, s7;
	[sflag:s24] =	ssyncset.done $0x0  }
.Ltmp1:
0x145: {  	[sflag:s24] =	ssyncadd.s32 $0xFFFFE000;
	(pc) =	sbr.rel @p0 .LBB2_1-.Ltmp1, $4  }
0x146: {  	[hbm4b:s10+s2] =	stream.linear.scatter [tilespmem:s14], [sflag:$0x2], $0x12000, $0x38;
	[tilespmem:$0x1B180] =	vst v63  }
0x147: {  	_ =	swait.ge [sflag:s12], $0x12000  }
0x148: {  	[sflag:s12] =	ssyncset.done $0x0  }
0x149: {  	[sflag:s12] =	ssyncadd.s32 $0xFFFEE000  }
0x14a: {  	_ =	sfence.sel $0x180000  }
0x14b: {  	[bflag:$0x0] =	sbarrier.arrive $0xFFFF  }
0x14c: {  	_ =	strace $0x90000047  }
0x14d: {  	s0 =	stileid.u32;
	[bflag:$0x2] =	sbarrier.arrive $0xFFFF  }
0x14e: {  	p0 =	sne.s32 s0, $0x0;
	s0 =	rddreg [dreg:$0x1]  }
0x14f: {  	s0 =	sadd.s32 @!p0 $0x100000, s0  }
0x150: {  	[sflag:s0] =	ssyncadd.tile.s32 @!p0 $0x1;
	_ =	shalt  }
.Lfunc_end2:
_tile_overlayer_lowered:
.L_overlay_start_2:
0x151: {  	(tag) =	ssettag $0x2  }
0x152: {  	s0 =	rddreg [dreg:$0x0];
	s2 =	stileid.u32  }
0x153: {  	s1 =	rddreg [dreg:$0x1];
	p0 =	sne.s32 s2, $0x0  }
0x154: {  	s3 =	rddreg [dreg:$0x2];
	[bflag:$0x3] =	sbarrier.arrive $0xFFFF;
	s2 =	simm.s32 @!p0 $0x1C02  }
0x155: {  	[timem:s3], [sflag:s2] =	dma.local @!p0 [hbm:s0], s1  }
0x156: {  	s0 =	simm.s32 @!p0 $0x2  }
0x157: {  	_ =	swait.ge @!p0 [sflag:s0], s1  }
0x158: {  	s1 =	ssub.s32 @!p0 $0x0, s1;
	[sflag:s0] =	ssyncset.done @!p0 $0x0  }
0x159: {  	[sflag:s0] =	ssyncadd.s32 @!p0 s1  }
0x15a: {  	[bflag:$0x3] =	sbarrier.arrive $0xFFFF  }
0x15b: {  	_ =	shalt  }

</sc_bundles>
